<compile_context>
chip_gen: v7x
topology: tpu7x:2x2x1
jax: 0.10.2.dev20260603
libtpu: 0.0.44.dev20260713+nightly
codegen_flags: <defaults>
</compile_context>

<pallas_src>
import functools

import jax
import jax.numpy as jnp
from jax import lax
from jax.experimental import pallas as pl
from jax.experimental.pallas import tpu as pltpu
from jax.experimental.pallas import tpu_sc as plsc

B = 8
N = 8192
M = 128
K = 16
F = 64
D = 768
LANES = 16
NCHUNK = N // LANES


def _fps_sc(xa, ya, za, ta):
    mesh = plsc.VectorSubcoreMesh(core_axis_name="c", subcore_axis_name="s")

    @functools.partial(
        pl.kernel,
        mesh=mesh,
        compiler_params=pltpu.CompilerParams(needs_layout_passes=False),
        out_type=jax.ShapeDtypeStruct((B, 4 * M), jnp.float32),
        scratch_types=[
            pltpu.VMEM((N,), jnp.float32),
            pltpu.VMEM((N,), jnp.float32),
            pltpu.VMEM((N,), jnp.float32),
            pltpu.VMEM((N,), jnp.float32),
            pltpu.VMEM((N,), jnp.float32),
            pltpu.VMEM((4 * M,), jnp.float32),
            pltpu.VMEM((32,), jnp.int32),
        ],
    )
    def k(x_hbm, y_hbm, z_hbm, t_hbm, cent_out, x_v, y_v, z_v, t_v, dist_v,
          cent_v, tmpi_v):
        wid = lax.axis_index("s") * 2 + lax.axis_index("c")

        @pl.when(wid < B)
        def _():
            b = wid
            pltpu.sync_copy(x_hbm.at[b], x_v)
            pltpu.sync_copy(y_hbm.at[b], y_v)
            pltpu.sync_copy(z_hbm.at[b], z_v)
            pltpu.sync_copy(t_hbm.at[b], t_v)

            lanes = lax.iota(jnp.int32, 16)
            inf16 = jnp.full((16,), jnp.inf, jnp.float32)
            sixteens = jnp.full((16,), 16, jnp.int32)

            def init_body(j, _):
                dist_v[pl.ds(j * 16, 16)] = inf16
                return 0

            lax.fori_loop(0, NCHUNK, init_body, 0, unroll=4)

            def bcast0_i(vec):
                tmpi_v[pl.ds(16, 16)] = vec
                return plsc.load_gather(tmpi_v, [sixteens])

            def bcast0_f(vec):
                return plsc.bitcast(
                    bcast0_i(plsc.bitcast(vec, jnp.int32)), jnp.float32)

            def coords_of(p_vec):
                return (plsc.load_gather(x_v, [p_vec]),
                        plsc.load_gather(y_v, [p_vec]),
                        plsc.load_gather(z_v, [p_vec]),
                        plsc.load_gather(t_v, [p_vec]))

            def store_cent(i, cx, cy, cz, ct):
                vals = jnp.where(
                    lanes == 0, cx,
                    jnp.where(lanes == 1, cy, jnp.where(lanes == 2, cz, ct)))
                safe = jnp.minimum(lanes, 3)
                plsc.store_scatter(cent_v, [i + M * safe], vals, mask=lanes < 4)

            c0 = (bcast0_f(x_v[pl.ds(0, 16)]), bcast0_f(y_v[pl.ds(0, 16)]),
                  bcast0_f(z_v[pl.ds(0, 16)]), bcast0_f(t_v[pl.ds(0, 16)]))
            store_cent(jnp.int32(0), *c0)

            def step(i, carry):
                cx, cy, cz, ct = carry

                def inner(j, ic):
                    bv, bi = ic
                    off = j * 16
                    dx = x_v[pl.ds(off, 16)] - cx
                    dy = y_v[pl.ds(off, 16)] - cy
                    dz = z_v[pl.ds(off, 16)] - cz
                    dt = t_v[pl.ds(off, 16)] - ct
                    d2 = dx * dx + dy * dy + dz * dz + dt * dt
                    nd = jnp.minimum(dist_v[pl.ds(off, 16)], d2)
                    dist_v[pl.ds(off, 16)] = nd
                    upd = nd > bv
                    bv = jnp.where(upd, nd, bv)
                    bi = jnp.where(upd, off + lanes, bi)
                    return bv, bi

                bv0 = jnp.full((16,), -1.0, jnp.float32)
                bi0 = jnp.zeros((16,), jnp.int32)
                bv, bi = lax.fori_loop(0, NCHUNK, inner, (bv0, bi0), unroll=4)
                sk, _ = plsc.sort_key_val(bv, bi, descending=True)
                hmax = bcast0_i(plsc.bitcast(sk, jnp.int32))
                hmaxf = plsc.bitcast(hmax, jnp.float32)
                cand = jnp.where(bv == hmaxf, bi, jnp.int32(1 << 30))
                sc_, _ = plsc.sort_key_val(cand, cand)
                p_vec = bcast0_i(sc_)
                nc = coords_of(p_vec)
                store_cent(i, *nc)
                return nc

            lax.fori_loop(1, M, step, c0)
            pltpu.sync_copy(cent_v, cent_out.at[b])

    return k(xa, ya, za, ta)


def _topk_tc(cent, ptsT):
    def body(cent_ref, pts_ref, knn_ref):
        b = pl.program_id(0)
        c = cent_ref[0]
        p = pts_ref[0]
        d2 = jnp.zeros((M, N), jnp.float32)
        for d in range(4):
            diff = c[:, d:d + 1] - p[d:d + 1, :]
            d2 = d2 + diff * diff
        iota = lax.broadcasted_iota(jnp.int32, (M, N), 1)
        big_i = jnp.int32(1 << 30)
        cols = []
        for _ in range(K):
            mn = jnp.min(d2, axis=1, keepdims=True)
            idx = jnp.min(jnp.where(d2 == mn, iota, big_i), axis=1)
            cols.append(idx)
            d2 = jnp.where(iota == idx[:, None], jnp.inf, d2)
        knn = jnp.stack(cols, axis=-1) + b * N
        knn_ref[...] = knn[None]

    return pl.pallas_call(
        body,
        grid=(B,),
        in_specs=[
            pl.BlockSpec((1, M, 4), lambda b: (b, 0, 0)),
            pl.BlockSpec((1, 4, N), lambda b: (b, 0, 0)),
        ],
        out_specs=pl.BlockSpec((1, M, K), lambda b: (b, 0, 0)),
        out_shape=jax.ShapeDtypeStruct((B, M, K), jnp.int32),
    )(cent, ptsT)


def _gather_sc(table, idx):
    nw = 32
    nb = B * M * K
    bpw = nb // nw
    fp = table.shape[1]
    mesh = plsc.VectorSubcoreMesh(core_axis_name="c", subcore_axis_name="s")

    @functools.partial(
        pl.kernel,
        mesh=mesh,
        compiler_params=pltpu.CompilerParams(needs_layout_passes=False),
        out_type=jax.ShapeDtypeStruct((nb, fp), jnp.float32),
        scratch_types=[
            pltpu.VMEM((bpw,), jnp.int32),
            pltpu.VMEM((bpw, fp), jnp.float32),
            pltpu.SemaphoreType.DMA,
        ],
    )
    def k(table_hbm, idx_hbm, out_hbm, idx_v, rows_v, sem):
        wid = lax.axis_index("s") * 2 + lax.axis_index("c")
        base = wid * bpw
        pltpu.sync_copy(idx_hbm.at[pl.ds(base, bpw)], idx_v)
        pltpu.async_copy(table_hbm.at[idx_v], rows_v, sem).wait()
        pltpu.sync_copy(rows_v, out_hbm.at[pl.ds(base, bpw)])

    return k(table, idx)


def _mlp_tc(x, W1, b1, W2, b2, W3, b3, W4, b4):
    rows = x.shape[0]
    fin = x.shape[1]
    blk = 2048
    grid = rows // blk

    def body(x_ref, w1, bb1, w2, bb2, w3, bb3, w4, bb4, out_ref):
        h = jnp.maximum(
            jnp.dot(x_ref[...], w1[...], preferred_element_type=jnp.float32)
            + bb1[...], 0.0)
        h = jnp.maximum(
            jnp.dot(h, w2[...], preferred_element_type=jnp.float32) + bb2[...], 0.0)
        h = jnp.maximum(
            jnp.dot(h, w3[...], preferred_element_type=jnp.float32) + bb3[...], 0.0)
        out_ref[...] = (
            jnp.dot(h, w4[...], preferred_element_type=jnp.float32) + bb4[...])

    full = lambda *s: pl.BlockSpec(s, lambda i: tuple(0 for _ in s))
    return pl.pallas_call(
        body,
        grid=(grid,),
        in_specs=[
            pl.BlockSpec((blk, fin), lambda i: (i, 0)),
            full(fin, 256), full(256,), full(256, 512), full(512,),
            full(512, D), full(D,), full(D, D), full(D,),
        ],
        out_specs=pl.BlockSpec((blk, D), lambda i: (i, 0)),
        out_shape=jax.ShapeDtypeStruct((rows, D), jnp.float32),
    )(x, W1, b1, W2, b2, W3, b3, W4, b4)


def _pool_tc(h, nW1, nb1, nW2, nb2):
    tokens = h.shape[0]
    blk = 128
    grid = tokens // blk

    def body(h_ref, w1, bb1, w2, bb2, out_ref):
        pooled = jnp.max(h_ref[...], axis=1)
        t1 = jnp.maximum(
            jnp.dot(pooled, w1[...], preferred_element_type=jnp.float32)
            + bb1[...], 0.0)
        out_ref[...] = (
            jnp.dot(t1, w2[...], preferred_element_type=jnp.float32) + bb2[...])

    full = lambda *s: pl.BlockSpec(s, lambda i: tuple(0 for _ in s))
    return pl.pallas_call(
        body,
        grid=(grid,),
        in_specs=[
            pl.BlockSpec((blk, K, D), lambda i: (i, 0, 0)),
            full(D, D), full(D,), full(D, D), full(D,),
        ],
        out_specs=pl.BlockSpec((blk, D), lambda i: (i, 0)),
        out_shape=jax.ShapeDtypeStruct((tokens, D), jnp.float32),
    )(h, nW1, nb1, nW2, nb2)


def kernel(coordinates, features, W1, b1, W2, b2, W3, b3, W4, b4, nW1, nb1, nW2, nb2):
    coords4 = coordinates[:, 1:5].reshape(B, N, 4).transpose(0, 2, 1)
    xa = coords4[:, 0, :]
    ya = coords4[:, 1, :]
    za = coords4[:, 2, :]
    ta = coords4[:, 3, :]

    cent_flat = _fps_sc(xa, ya, za, ta)
    cent = cent_flat.reshape(B, 4, M).transpose(0, 2, 1)
    knn = _topk_tc(cent, coords4)
    feats_p = jnp.concatenate(
        [features, jnp.zeros((B * N, 128 - F), jnp.float32)], axis=1)
    W1p = jnp.concatenate([W1, jnp.zeros((128 - F, 256), jnp.float32)], axis=0)
    gathered = _gather_sc(feats_p, knn.reshape(-1))
    h4 = _mlp_tc(gathered, W1p, b1, W2, b2, W3, b3, W4, b4)
    tokens = _pool_tc(h4.reshape(B * M, K, D), nW1, nb1, nW2, nb2)
    tokens = tokens.reshape(B, M, D)
    mask = jnp.ones((B, M), jnp.bool_)
    return tokens, cent, mask

# --- scband reference (transcript-rebuilt; emitter-appended) ---
"""Pipeline reference for scband-point-cloud-tokenizer-54047868453420 (READ-ONLY COPY).

The authoritative reference and input builder live on the scoring server;
editing this copy changes nothing except your own understanding.
"""

import jax, jax.numpy as jnp
import numpy as np

MAX_TOKENS = 128
K_NEIGHBORS = 16
FEATURE_DIM = 64
TOKEN_DIM = 768
BATCH = 8
PTS_PER_BATCH = 8192


def _fps(points, m):
    n = points.shape[0]

    def body(i, state):
        idxs, dists = state
        last = points[idxs[i - 1]]
        d = jnp.sum((points - last) ** 2, axis=-1)
        dists = jnp.minimum(dists, d)
        idxs = idxs.at[i].set(jnp.argmax(dists).astype(jnp.int32))
        return idxs, dists

    idxs = jnp.zeros((m,), dtype=jnp.int32)
    dists = jnp.full((n,), jnp.inf, dtype=points.dtype)
    idxs, _ = jax.lax.fori_loop(1, m, body, (idxs, dists))
    return idxs


def _point_mlp(x, params):
    W1, b1, W2, b2, W3, b3, W4, b4 = params
    h = jax.nn.relu(x @ W1 + b1)
    h = jax.nn.relu(h @ W2 + b2)
    h = jax.nn.relu(h @ W3 + b3)
    return h @ W4 + b4


def _neigh_mlp(x, params):
    nW1, nb1, nW2, nb2 = params
    h = jax.nn.relu(x @ nW1 + nb1)
    return h @ nW2 + nb2


def setup_inputs(seed: int = 0):
    key = jax.random.key(seed)
    ks = jax.random.split(key, 16)
    bidx = jnp.repeat(jnp.arange(BATCH, dtype=jnp.float32), PTS_PER_BATCH)[:, None]
    xyz = jax.random.uniform(ks[0], (BATCH * PTS_PER_BATCH, 3)) * 10.0
    t = jax.random.uniform(ks[1], (BATCH * PTS_PER_BATCH, 1))
    coordinates = jnp.concatenate([bidx, xyz, t], axis=-1)
    features = jax.random.normal(ks[2], (BATCH * PTS_PER_BATCH, FEATURE_DIM), dtype=jnp.float32)

    def lin(k, i, o):
        return jax.random.normal(k, (i, o), dtype=jnp.float32) * 0.02

    return {
        "coordinates": coordinates,
        "features": features,
        "W1": lin(ks[3], FEATURE_DIM, 256), "b1": jnp.zeros((256,), jnp.float32),
        "W2": lin(ks[4], 256, 512), "b2": jnp.zeros((512,), jnp.float32),
        "W3": lin(ks[5], 512, 768), "b3": jnp.zeros((768,), jnp.float32),
        "W4": lin(ks[6], 768, TOKEN_DIM), "b4": jnp.zeros((TOKEN_DIM,), jnp.float32),
        "nW1": lin(ks[7], TOKEN_DIM, TOKEN_DIM), "nb1": jnp.zeros((TOKEN_DIM,), jnp.float32),
        "nW2": lin(ks[8], TOKEN_DIM, TOKEN_DIM), "nb2": jnp.zeros((TOKEN_DIM,), jnp.float32),
    }


def reference(coordinates, features, W1, b1, W2, b2, W3, b3, W4, b4, nW1, nb1, nW2, nb2):
    batch_idx = coordinates[:, 0]
    xyz = coordinates[:, 1:4]
    tcol = coordinates[:, 4:5]
    bsz = coordinates.shape[0] // PTS_PER_BATCH
    mlp_params = (W1, b1, W2, b2, W3, b3, W4, b4)
    neigh_params = (nW1, nb1, nW2, nb2)
    tokens_l, cent_l, mask_l = [], [], []
    for b in range(bsz):
        sel = jnp.nonzero(batch_idx == b, size=PTS_PER_BATCH)[0]
        pts = jnp.concatenate([xyz[sel], tcol[sel]], axis=-1)
        feats = features[sel]
        n = pts.shape[0]
        h = _point_mlp(feats, mlp_params)
        if n <= MAX_TOKENS:
            cent = pts
            tok = h
            nvalid = n
            pad = MAX_TOKENS - n
            if pad > 0:
                tok = jnp.concatenate([tok, jnp.zeros((pad, TOKEN_DIM), tok.dtype)], axis=0)
                cent = jnp.concatenate([cent, jnp.zeros((pad, 4), cent.dtype)], axis=0)
        else:
            fps_idx = _fps(jax.lax.stop_gradient(pts), MAX_TOKENS)
            cent = pts[fps_idx]
            d2 = jnp.sum((cent[:, None, :] - pts[None, :, :]) ** 2, axis=-1)
            dist = jnp.sqrt(jnp.maximum(d2, 0.0))
            k = min(K_NEIGHBORS, n)
            _, knn = jax.lax.top_k(-dist, k)
            gathered = h[knn.reshape(-1)].reshape(MAX_TOKENS, k, TOKEN_DIM)
            pooled = jnp.max(gathered, axis=1)
            tok = _neigh_mlp(pooled, neigh_params)
            nvalid = MAX_TOKENS
        mask = jnp.arange(MAX_TOKENS) < nvalid
        tokens_l.append(tok)
        cent_l.append(cent)
        mask_l.append(mask)
    return jnp.stack(tokens_l, axis=0), jnp.stack(cent_l, axis=0), jnp.stack(mask_l, axis=0)

if __name__ == "__main__":
    import jax
    _d = setup_inputs()
    print(jax.jit(kernel)(*tuple(_d.values())))

</pallas_src>

<mosaic_0001>
#map = affine_map<(d0, d1) -> (0, 0)>
module attributes {stable_mosaic.version = 14 : i64} {
  func.func @k(%arg0: i32, %arg1: i32, %arg2: memref<8x8192xf32, #tpu.memory_space<hbm>>, %arg3: memref<8x8192xf32, #tpu.memory_space<hbm>>, %arg4: memref<8x8192xf32, #tpu.memory_space<hbm>>, %arg5: memref<8x8192xf32, #tpu.memory_space<hbm>>, %arg6: memref<8x512xf32, #tpu.memory_space<hbm>>, %arg7: memref<8192xf32, #tpu.memory_space<vmem>>, %arg8: memref<8192xf32, #tpu.memory_space<vmem>>, %arg9: memref<8192xf32, #tpu.memory_space<vmem>>, %arg10: memref<8192xf32, #tpu.memory_space<vmem>>, %arg11: memref<8192xf32, #tpu.memory_space<vmem>>, %arg12: memref<512xf32, #tpu.memory_space<vmem>>, %arg13: memref<32xi32, #tpu.memory_space<vmem>>) attributes {dimension_semantics = [#tpu.dimension_semantics<core_parallel>, #tpu.dimension_semantics<subcore_parallel>], iteration_bounds = array<i64: 2, 16>, scalar_prefetch = 0 : i64, scratch_operands = 7 : i64, tpu.core_type = #tpu.core_type<sc_vector_subcore>, window_params = [{transform_indices = #map}, {transform_indices = #map}, {transform_indices = #map}, {transform_indices = #map}, {transform_indices = #map}]} {
    %mul3A = arith.constant 2 : i32
    %mul3A_0 = arith.muli %arg1, %mul3A : i32
    %add3A = arith.addi %mul3A_0, %arg0 : i32
    %lt3A = arith.constant 8 : i32
    %lt3A_1 = arith.cmpi slt, %add3A, %lt3A : i32
    %convert_element_type3A = arith.extui %lt3A_1 : i1 to i32
    %cond3A = arith.constant 0 : i32
    %cond3A_2 = arith.cmpi ne, %convert_element_type3A, %cond3A : i32
    scf.if %cond3A_2 {
      "tpu.region"() ({
        %run_scoped3A = tpu.sem_alloc : memref<!tpu.dma_semaphore, #tpu.memory_space<semaphore_mem>>
        %dma_start3A = arith.constant 0 : i32
        %dma_start3A_63 = tpu.memref_slice %arg2[%add3A, %dma_start3A] : memref<8x8192xf32, #tpu.memory_space<hbm>> -> memref<1x8192xf32, #tpu.memory_space<hbm>>
        %dma_start3A_64 = tpu.memref_squeeze %dma_start3A_63 : memref<1x8192xf32, #tpu.memory_space<hbm>> -> memref<8192xf32, #tpu.memory_space<hbm>>
        %dma_start3A_65 = arith.constant 0 : i32
        %dma_start3A_66 = tpu.memref_slice %arg2[%add3A, %dma_start3A_65] : memref<8x8192xf32, #tpu.memory_space<hbm>> -> memref<1x8192xf32, #tpu.memory_space<hbm>>
        %dma_start3A_67 = tpu.memref_squeeze %dma_start3A_66 : memref<1x8192xf32, #tpu.memory_space<hbm>> -> memref<8192xf32, #tpu.memory_space<hbm>>
        tpu.enqueue_dma source(%dma_start3A_67 : memref<8192xf32, #tpu.memory_space<hbm>>) target(%arg7 : memref<8192xf32, #tpu.memory_space<vmem>>) target_semaphore(%run_scoped3A : memref<!tpu.dma_semaphore, #tpu.memory_space<semaphore_mem>>)
        %dma_wait3A = arith.constant 0 : i32
        %dma_wait3A_68 = tpu.memref_slice %arg2[%add3A, %dma_wait3A] : memref<8x8192xf32, #tpu.memory_space<hbm>> -> memref<1x8192xf32, #tpu.memory_space<hbm>>
        %dma_wait3A_69 = tpu.memref_squeeze %dma_wait3A_68 : memref<1x8192xf32, #tpu.memory_space<hbm>> -> memref<8192xf32, #tpu.memory_space<hbm>>
        %dma_wait3A_70 = arith.constant 0 : i32
        %dma_wait3A_71 = tpu.memref_slice %arg2[%add3A, %dma_wait3A_70] : memref<8x8192xf32, #tpu.memory_space<hbm>> -> memref<1x8192xf32, #tpu.memory_space<hbm>>
        %dma_wait3A_72 = tpu.memref_squeeze %dma_wait3A_71 : memref<1x8192xf32, #tpu.memory_space<hbm>> -> memref<8192xf32, #tpu.memory_space<hbm>>
        tpu.wait_dma2 semaphore(%run_scoped3A : memref<!tpu.dma_semaphore, #tpu.memory_space<semaphore_mem>>) src(%dma_wait3A_72 : memref<8192xf32, #tpu.memory_space<hbm>>) dst(%arg7 : memref<8192xf32, #tpu.memory_space<vmem>>)
        tpu.yield
      }) : () -> ()
      "tpu.region"() ({
        %run_scoped3A = tpu.sem_alloc : memref<!tpu.dma_semaphore, #tpu.memory_space<semaphore_mem>>
        %dma_start3A = arith.constant 0 : i32
        %dma_start3A_63 = tpu.memref_slice %arg3[%add3A, %dma_start3A] : memref<8x8192xf32, #tpu.memory_space<hbm>> -> memref<1x8192xf32, #tpu.memory_space<hbm>>
        %dma_start3A_64 = tpu.memref_squeeze %dma_start3A_63 : memref<1x8192xf32, #tpu.memory_space<hbm>> -> memref<8192xf32, #tpu.memory_space<hbm>>
        %dma_start3A_65 = arith.constant 0 : i32
        %dma_start3A_66 = tpu.memref_slice %arg3[%add3A, %dma_start3A_65] : memref<8x8192xf32, #tpu.memory_space<hbm>> -> memref<1x8192xf32, #tpu.memory_space<hbm>>
        %dma_start3A_67 = tpu.memref_squeeze %dma_start3A_66 : memref<1x8192xf32, #tpu.memory_space<hbm>> -> memref<8192xf32, #tpu.memory_space<hbm>>
        tpu.enqueue_dma source(%dma_start3A_67 : memref<8192xf32, #tpu.memory_space<hbm>>) target(%arg8 : memref<8192xf32, #tpu.memory_space<vmem>>) target_semaphore(%run_scoped3A : memref<!tpu.dma_semaphore, #tpu.memory_space<semaphore_mem>>)
        %dma_wait3A = arith.constant 0 : i32
        %dma_wait3A_68 = tpu.memref_slice %arg3[%add3A, %dma_wait3A] : memref<8x8192xf32, #tpu.memory_space<hbm>> -> memref<1x8192xf32, #tpu.memory_space<hbm>>
        %dma_wait3A_69 = tpu.memref_squeeze %dma_wait3A_68 : memref<1x8192xf32, #tpu.memory_space<hbm>> -> memref<8192xf32, #tpu.memory_space<hbm>>
        %dma_wait3A_70 = arith.constant 0 : i32
        %dma_wait3A_71 = tpu.memref_slice %arg3[%add3A, %dma_wait3A_70] : memref<8x8192xf32, #tpu.memory_space<hbm>> -> memref<1x8192xf32, #tpu.memory_space<hbm>>
        %dma_wait3A_72 = tpu.memref_squeeze %dma_wait3A_71 : memref<1x8192xf32, #tpu.memory_space<hbm>> -> memref<8192xf32, #tpu.memory_space<hbm>>
        tpu.wait_dma2 semaphore(%run_scoped3A : memref<!tpu.dma_semaphore, #tpu.memory_space<semaphore_mem>>) src(%dma_wait3A_72 : memref<8192xf32, #tpu.memory_space<hbm>>) dst(%arg8 : memref<8192xf32, #tpu.memory_space<vmem>>)
        tpu.yield
      }) : () -> ()
      "tpu.region"() ({
        %run_scoped3A = tpu.sem_alloc : memref<!tpu.dma_semaphore, #tpu.memory_space<semaphore_mem>>
        %dma_start3A = arith.constant 0 : i32
        %dma_start3A_63 = tpu.memref_slice %arg4[%add3A, %dma_start3A] : memref<8x8192xf32, #tpu.memory_space<hbm>> -> memref<1x8192xf32, #tpu.memory_space<hbm>>
        %dma_start3A_64 = tpu.memref_squeeze %dma_start3A_63 : memref<1x8192xf32, #tpu.memory_space<hbm>> -> memref<8192xf32, #tpu.memory_space<hbm>>
        %dma_start3A_65 = arith.constant 0 : i32
        %dma_start3A_66 = tpu.memref_slice %arg4[%add3A, %dma_start3A_65] : memref<8x8192xf32, #tpu.memory_space<hbm>> -> memref<1x8192xf32, #tpu.memory_space<hbm>>
        %dma_start3A_67 = tpu.memref_squeeze %dma_start3A_66 : memref<1x8192xf32, #tpu.memory_space<hbm>> -> memref<8192xf32, #tpu.memory_space<hbm>>
        tpu.enqueue_dma source(%dma_start3A_67 : memref<8192xf32, #tpu.memory_space<hbm>>) target(%arg9 : memref<8192xf32, #tpu.memory_space<vmem>>) target_semaphore(%run_scoped3A : memref<!tpu.dma_semaphore, #tpu.memory_space<semaphore_mem>>)
        %dma_wait3A = arith.constant 0 : i32
        %dma_wait3A_68 = tpu.memref_slice %arg4[%add3A, %dma_wait3A] : memref<8x8192xf32, #tpu.memory_space<hbm>> -> memref<1x8192xf32, #tpu.memory_space<hbm>>
        %dma_wait3A_69 = tpu.memref_squeeze %dma_wait3A_68 : memref<1x8192xf32, #tpu.memory_space<hbm>> -> memref<8192xf32, #tpu.memory_space<hbm>>
        %dma_wait3A_70 = arith.constant 0 : i32
        %dma_wait3A_71 = tpu.memref_slice %arg4[%add3A, %dma_wait3A_70] : memref<8x8192xf32, #tpu.memory_space<hbm>> -> memref<1x8192xf32, #tpu.memory_space<hbm>>
        %dma_wait3A_72 = tpu.memref_squeeze %dma_wait3A_71 : memref<1x8192xf32, #tpu.memory_space<hbm>> -> memref<8192xf32, #tpu.memory_space<hbm>>
        tpu.wait_dma2 semaphore(%run_scoped3A : memref<!tpu.dma_semaphore, #tpu.memory_space<semaphore_mem>>) src(%dma_wait3A_72 : memref<8192xf32, #tpu.memory_space<hbm>>) dst(%arg9 : memref<8192xf32, #tpu.memory_space<vmem>>)
        tpu.yield
      }) : () -> ()
      "tpu.region"() ({
        %run_scoped3A = tpu.sem_alloc : memref<!tpu.dma_semaphore, #tpu.memory_space<semaphore_mem>>
        %dma_start3A = arith.constant 0 : i32
        %dma_start3A_63 = tpu.memref_slice %arg5[%add3A, %dma_start3A] : memref<8x8192xf32, #tpu.memory_space<hbm>> -> memref<1x8192xf32, #tpu.memory_space<hbm>>
        %dma_start3A_64 = tpu.memref_squeeze %dma_start3A_63 : memref<1x8192xf32, #tpu.memory_space<hbm>> -> memref<8192xf32, #tpu.memory_space<hbm>>
        %dma_start3A_65 = arith.constant 0 : i32
        %dma_start3A_66 = tpu.memref_slice %arg5[%add3A, %dma_start3A_65] : memref<8x8192xf32, #tpu.memory_space<hbm>> -> memref<1x8192xf32, #tpu.memory_space<hbm>>
        %dma_start3A_67 = tpu.memref_squeeze %dma_start3A_66 : memref<1x8192xf32, #tpu.memory_space<hbm>> -> memref<8192xf32, #tpu.memory_space<hbm>>
        tpu.enqueue_dma source(%dma_start3A_67 : memref<8192xf32, #tpu.memory_space<hbm>>) target(%arg10 : memref<8192xf32, #tpu.memory_space<vmem>>) target_semaphore(%run_scoped3A : memref<!tpu.dma_semaphore, #tpu.memory_space<semaphore_mem>>)
        %dma_wait3A = arith.constant 0 : i32
        %dma_wait3A_68 = tpu.memref_slice %arg5[%add3A, %dma_wait3A] : memref<8x8192xf32, #tpu.memory_space<hbm>> -> memref<1x8192xf32, #tpu.memory_space<hbm>>
        %dma_wait3A_69 = tpu.memref_squeeze %dma_wait3A_68 : memref<1x8192xf32, #tpu.memory_space<hbm>> -> memref<8192xf32, #tpu.memory_space<hbm>>
        %dma_wait3A_70 = arith.constant 0 : i32
        %dma_wait3A_71 = tpu.memref_slice %arg5[%add3A, %dma_wait3A_70] : memref<8x8192xf32, #tpu.memory_space<hbm>> -> memref<1x8192xf32, #tpu.memory_space<hbm>>
        %dma_wait3A_72 = tpu.memref_squeeze %dma_wait3A_71 : memref<1x8192xf32, #tpu.memory_space<hbm>> -> memref<8192xf32, #tpu.memory_space<hbm>>
        tpu.wait_dma2 semaphore(%run_scoped3A : memref<!tpu.dma_semaphore, #tpu.memory_space<semaphore_mem>>) src(%dma_wait3A_72 : memref<8192xf32, #tpu.memory_space<hbm>>) dst(%arg10 : memref<8192xf32, #tpu.memory_space<vmem>>)
        tpu.yield
      }) : () -> ()
      %iota3A = tpu.iota {dimensions = array<i32: 0>} : vector<16xi32>
      %broadcast_in_dim3A = arith.constant 0x7F800000 : f32
      %broadcast_in_dim3A_3 = vector.broadcast %broadcast_in_dim3A : f32 to vector<16xf32>
      %broadcast_in_dim3A_4 = arith.constant 16 : i32
      %broadcast_in_dim3A_5 = vector.broadcast %broadcast_in_dim3A_4 : i32 to vector<16xi32>
      %scan3A = arith.constant 0 : i32
      %scan3A_6 = arith.constant 0 : i32
      %scan3A_7 = arith.constant 512 : i32
      %scan3A_8 = arith.addi %scan3A_6, %scan3A_7 : i32
      %scan3A_9 = arith.constant 4 : i32
      %scan3A_10 = scf.for %scan3A_63 = %scan3A_6 to %scan3A_8 step %scan3A_9 iter_args(%scan3A_64 = %scan3A) -> (i32)  : i32 {
        %mul3A_65 = arith.constant 16 : i32
        %mul3A_66 = arith.muli %scan3A_63, %mul3A_65 : i32
        %swap3A_67 = arith.index_cast %mul3A_66 : i32 to index
        %swap3A_68 = tpu.vector_load %arg11[%swap3A_67] {strides = array<i32>} : memref<8192xf32, #tpu.memory_space<vmem>>, vector<16xf32>,
        tpu.vector_store %arg11[%swap3A_67], %broadcast_in_dim3A_3 {strides = array<i32>} : memref<8192xf32, #tpu.memory_space<vmem>>, vector<16xf32>,
        %scan3A_69 = arith.constant 0 : i32
        %scan3A_70 = arith.constant 1 : i32
        %scan3A_71 = arith.addi %scan3A_63, %scan3A_70 : i32
        %mul3A_72 = arith.constant 16 : i32
        %mul3A_73 = arith.muli %scan3A_71, %mul3A_72 : i32
        %swap3A_74 = arith.index_cast %mul3A_73 : i32 to index
        %swap3A_75 = tpu.vector_load %arg11[%swap3A_74] {strides = array<i32>} : memref<8192xf32, #tpu.memory_space<vmem>>, vector<16xf32>,
        tpu.vector_store %arg11[%swap3A_74], %broadcast_in_dim3A_3 {strides = array<i32>} : memref<8192xf32, #tpu.memory_space<vmem>>, vector<16xf32>,
        %scan3A_76 = arith.constant 0 : i32
        %scan3A_77 = arith.constant 2 : i32
        %scan3A_78 = arith.addi %scan3A_63, %scan3A_77 : i32
        %mul3A_79 = arith.constant 16 : i32
        %mul3A_80 = arith.muli %scan3A_78, %mul3A_79 : i32
        %swap3A_81 = arith.index_cast %mul3A_80 : i32 to index
        %swap3A_82 = tpu.vector_load %arg11[%swap3A_81] {strides = array<i32>} : memref<8192xf32, #tpu.memory_space<vmem>>, vector<16xf32>,
        tpu.vector_store %arg11[%swap3A_81], %broadcast_in_dim3A_3 {strides = array<i32>} : memref<8192xf32, #tpu.memory_space<vmem>>, vector<16xf32>,
        %scan3A_83 = arith.constant 0 : i32
        %scan3A_84 = arith.constant 3 : i32
        %scan3A_85 = arith.addi %scan3A_63, %scan3A_84 : i32
        %mul3A_86 = arith.constant 16 : i32
        %mul3A_87 = arith.muli %scan3A_85, %mul3A_86 : i32
        %swap3A_88 = arith.index_cast %mul3A_87 : i32 to index
        %swap3A_89 = tpu.vector_load %arg11[%swap3A_88] {strides = array<i32>} : memref<8192xf32, #tpu.memory_space<vmem>>, vector<16xf32>,
        tpu.vector_store %arg11[%swap3A_88], %broadcast_in_dim3A_3 {strides = array<i32>} : memref<8192xf32, #tpu.memory_space<vmem>>, vector<16xf32>,
        %scan3A_90 = arith.constant 0 : i32
        scf.yield %scan3A_90 : i32
      }
      %scan3A_11 = arith.constant 512 : i32
      %get3A = arith.constant 0 : index
      %get3A_12 = tpu.vector_load %arg7[%get3A] {strides = array<i32>} : memref<8192xf32, #tpu.memory_space<vmem>>, vector<16xf32>,
      %bitcast3A = vector.bitcast %get3A_12 : vector<16xf32> to vector<16xi32>
      %swap3A = arith.constant 16 : index
      %swap3A_13 = tpu.vector_load %arg13[%swap3A] {strides = array<i32>} : memref<32xi32, #tpu.memory_space<vmem>>, vector<16xi32>,
      tpu.vector_store %arg13[%swap3A], %bitcast3A {strides = array<i32>} : memref<32xi32, #tpu.memory_space<vmem>>, vector<16xi32>,
      %gather3A = tpu.vector_load_idx %arg13[%broadcast_in_dim3A_5] : memref<32xi32, #tpu.memory_space<vmem>>[vector<16xi32>], vector<16xi32>,
      %bitcast3A_14 = vector.bitcast %gather3A : vector<16xi32> to vector<16xf32>
      %get3A_15 = arith.constant 0 : index
      %get3A_16 = tpu.vector_load %arg8[%get3A_15] {strides = array<i32>} : memref<8192xf32, #tpu.memory_space<vmem>>, vector<16xf32>,
      %bitcast3A_17 = vector.bitcast %get3A_16 : vector<16xf32> to vector<16xi32>
      %swap3A_18 = arith.constant 16 : index
      %swap3A_19 = tpu.vector_load %arg13[%swap3A_18] {strides = array<i32>} : memref<32xi32, #tpu.memory_space<vmem>>, vector<16xi32>,
      tpu.vector_store %arg13[%swap3A_18], %bitcast3A_17 {strides = array<i32>} : memref<32xi32, #tpu.memory_space<vmem>>, vector<16xi32>,
      %gather3A_20 = tpu.vector_load_idx %arg13[%broadcast_in_dim3A_5] : memref<32xi32, #tpu.memory_space<vmem>>[vector<16xi32>], vector<16xi32>,
      %bitcast3A_21 = vector.bitcast %gather3A_20 : vector<16xi32> to vector<16xf32>
      %get3A_22 = arith.constant 0 : index
      %get3A_23 = tpu.vector_load %arg9[%get3A_22] {strides = array<i32>} : memref<8192xf32, #tpu.memory_space<vmem>>, vector<16xf32>,
      %bitcast3A_24 = vector.bitcast %get3A_23 : vector<16xf32> to vector<16xi32>
      %swap3A_25 = arith.constant 16 : index
      %swap3A_26 = tpu.vector_load %arg13[%swap3A_25] {strides = array<i32>} : memref<32xi32, #tpu.memory_space<vmem>>, vector<16xi32>,
      tpu.vector_store %arg13[%swap3A_25], %bitcast3A_24 {strides = array<i32>} : memref<32xi32, #tpu.memory_space<vmem>>, vector<16xi32>,
      %gather3A_27 = tpu.vector_load_idx %arg13[%broadcast_in_dim3A_5] : memref<32xi32, #tpu.memory_space<vmem>>[vector<16xi32>], vector<16xi32>,
      %bitcast3A_28 = vector.bitcast %gather3A_27 : vector<16xi32> to vector<16xf32>
      %get3A_29 = arith.constant 0 : index
      %get3A_30 = tpu.vector_load %arg10[%get3A_29] {strides = array<i32>} : memref<8192xf32, #tpu.memory_space<vmem>>, vector<16xf32>,
      %bitcast3A_31 = vector.bitcast %get3A_30 : vector<16xf32> to vector<16xi32>
      %swap3A_32 = arith.constant 16 : index
      %swap3A_33 = tpu.vector_load %arg13[%swap3A_32] {strides = array<i32>} : memref<32xi32, #tpu.memory_space<vmem>>, vector<16xi32>,
      tpu.vector_store %arg13[%swap3A_32], %bitcast3A_31 {strides = array<i32>} : memref<32xi32, #tpu.memory_space<vmem>>, vector<16xi32>,
      %gather3A_34 = tpu.vector_load_idx %arg13[%broadcast_in_dim3A_5] : memref<32xi32, #tpu.memory_space<vmem>>[vector<16xi32>], vector<16xi32>,
      %bitcast3A_35 = vector.bitcast %gather3A_34 : vector<16xi32> to vector<16xf32>
      %eq3A = arith.constant 0 : i32
      %eq3A_36 = vector.broadcast %eq3A : i32 to vector<16xi32>
      %eq3A_37 = arith.cmpi eq, %iota3A, %eq3A_36 : vector<16xi32>
      %eq3A_38 = arith.constant 1 : i32
      %eq3A_39 = vector.broadcast %eq3A_38 : i32 to vector<16xi32>
      %eq3A_40 = arith.cmpi eq, %iota3A, %eq3A_39 : vector<16xi32>
      %eq3A_41 = arith.constant 2 : i32
      %eq3A_42 = vector.broadcast %eq3A_41 : i32 to vector<16xi32>
      %eq3A_43 = arith.cmpi eq, %iota3A, %eq3A_42 : vector<16xi32>
      %select_n3A = arith.select %eq3A_43, %bitcast3A_28, %bitcast3A_35 : vector<16xi1>, vector<16xf32>
      %select_n3A_44 = arith.select %eq3A_40, %bitcast3A_21, %select_n3A : vector<16xi1>, vector<16xf32>
      %select_n3A_45 = arith.select %eq3A_37, %bitcast3A_14, %select_n3A_44 : vector<16xi1>, vector<16xf32>
      %min3A = arith.constant 3 : i32
      %min3A_46 = vector.broadcast %min3A : i32 to vector<16xi32>
      %min3A_47 = arith.minsi %iota3A, %min3A_46 : vector<16xi32>
      %mul3A_48 = arith.constant 128 : i32
      %mul3A_49 = vector.broadcast %mul3A_48 : i32 to vector<16xi32>
      %mul3A_50 = arith.muli %mul3A_49, %min3A_47 : vector<16xi32>
      %add3A_51 = arith.constant 0 : i32
      %add3A_52 = vector.broadcast %add3A_51 : i32 to vector<16xi32>
      %add3A_53 = arith.addi %add3A_52, %mul3A_50 : vector<16xi32>
      %lt3A_54 = arith.constant 4 : i32
      %lt3A_55 = vector.broadcast %lt3A_54 : i32 to vector<16xi32>
      %lt3A_56 = arith.cmpi slt, %iota3A, %lt3A_55 : vector<16xi32>
      tpu.vector_store_idx %arg12[%add3A_53], %select_n3A_45 masked %lt3A_56 : memref<512xf32, #tpu.memory_space<vmem>>[vector<16xi32>], vector<16xf32>, vector<16xi1>
      %scan3A_57 = arith.constant 1 : i32
      %scan3A_58 = arith.constant 127 : i32
      %scan3A_59 = arith.addi %scan3A_57, %scan3A_58 : i32
      %scan3A_60 = arith.constant 1 : i32
      %scan3A_61:4 = scf.for %scan3A_63 = %scan3A_57 to %scan3A_59 step %scan3A_60 iter_args(%scan3A_64 = %bitcast3A_14, %scan3A_65 = %bitcast3A_21, %scan3A_66 = %bitcast3A_28, %scan3A_67 = %bitcast3A_35) -> (vector<16xf32>, vector<16xf32>, vector<16xf32>, vector<16xf32>)  : i32 {
        %broadcast_in_dim3A_68 = arith.constant -1.000000e+00 : f32
        %broadcast_in_dim3A_69 = vector.broadcast %broadcast_in_dim3A_68 : f32 to vector<16xf32>
        %broadcast_in_dim3A_70 = arith.constant 0 : i32
        %broadcast_in_dim3A_71 = vector.broadcast %broadcast_in_dim3A_70 : i32 to vector<16xi32>
        %scan3A_72 = arith.constant 0 : i32
        %scan3A_73 = arith.constant 512 : i32
        %scan3A_74 = arith.addi %scan3A_72, %scan3A_73 : i32
        %scan3A_75 = arith.constant 4 : i32
        %scan3A_76:2 = scf.for %scan3A_127 = %scan3A_72 to %scan3A_74 step %scan3A_75 iter_args(%scan3A_128 = %broadcast_in_dim3A_69, %scan3A_129 = %broadcast_in_dim3A_71) -> (vector<16xf32>, vector<16xi32>)  : i32 {
          %mul3A_130 = arith.constant 16 : i32
          %mul3A_131 = arith.muli %scan3A_127, %mul3A_130 : i32
          %get3A_132 = arith.index_cast %mul3A_131 : i32 to index
          %get3A_133 = tpu.vector_load %arg7[%get3A_132] {strides = array<i32>} : memref<8192xf32, #tpu.memory_space<vmem>>, vector<16xf32>,
          %sub3A = arith.subf %get3A_133, %scan3A_64 : vector<16xf32>
          %get3A_134 = arith.index_cast %mul3A_131 : i32 to index
          %get3A_135 = tpu.vector_load %arg8[%get3A_134] {strides = array<i32>} : memref<8192xf32, #tpu.memory_space<vmem>>, vector<16xf32>,
          %sub3A_136 = arith.subf %get3A_135, %scan3A_65 : vector<16xf32>
          %get3A_137 = arith.index_cast %mul3A_131 : i32 to index
          %get3A_138 = tpu.vector_load %arg9[%get3A_137] {strides = array<i32>} : memref<8192xf32, #tpu.memory_space<vmem>>, vector<16xf32>,
          %sub3A_139 = arith.subf %get3A_138, %scan3A_66 : vector<16xf32>
          %get3A_140 = arith.index_cast %mul3A_131 : i32 to index
          %get3A_141 = tpu.vector_load %arg10[%get3A_140] {strides = array<i32>} : memref<8192xf32, #tpu.memory_space<vmem>>, vector<16xf32>,
          %sub3A_142 = arith.subf %get3A_141, %scan3A_67 : vector<16xf32>
          %mul3A_143 = arith.mulf %sub3A, %sub3A : vector<16xf32>
          %mul3A_144 = arith.mulf %sub3A_136, %sub3A_136 : vector<16xf32>
          %add3A_145 = arith.addf %mul3A_143, %mul3A_144 : vector<16xf32>
          %mul3A_146 = arith.mulf %sub3A_139, %sub3A_139 : vector<16xf32>
          %add3A_147 = arith.addf %add3A_145, %mul3A_146 : vector<16xf32>
          %mul3A_148 = arith.mulf %sub3A_142, %sub3A_142 : vector<16xf32>
          %add3A_149 = arith.addf %add3A_147, %mul3A_148 : vector<16xf32>
          %get3A_150 = arith.index_cast %mul3A_131 : i32 to index
          %get3A_151 = tpu.vector_load %arg11[%get3A_150] {strides = array<i32>} : memref<8192xf32, #tpu.memory_space<vmem>>, vector<16xf32>,
          %min3A_152 = arith.minimumf %get3A_151, %add3A_149 : vector<16xf32>
          %swap3A_153 = arith.index_cast %mul3A_131 : i32 to index
          %swap3A_154 = tpu.vector_load %arg11[%swap3A_153] {strides = array<i32>} : memref<8192xf32, #tpu.memory_space<vmem>>, vector<16xf32>,
          tpu.vector_store %arg11[%swap3A_153], %min3A_152 {strides = array<i32>} : memref<8192xf32, #tpu.memory_space<vmem>>, vector<16xf32>,
          %gt3A = arith.cmpf ogt, %min3A_152, %scan3A_128 : vector<16xf32>
          %select_n3A_155 = arith.select %gt3A, %min3A_152, %scan3A_128 : vector<16xi1>, vector<16xf32>
          %add3A_156 = vector.broadcast %mul3A_131 : i32 to vector<16xi32>
          %add3A_157 = arith.addi %add3A_156, %iota3A : vector<16xi32>
          %select_n3A_158 = arith.select %gt3A, %add3A_157, %scan3A_129 : vector<16xi1>, vector<16xi32>
          %scan3A_159 = arith.constant 1 : i32
          %scan3A_160 = arith.addi %scan3A_127, %scan3A_159 : i32
          %mul3A_161 = arith.constant 16 : i32
          %mul3A_162 = arith.muli %scan3A_160, %mul3A_161 : i32
          %get3A_163 = arith.index_cast %mul3A_162 : i32 to index
          %get3A_164 = tpu.vector_load %arg7[%get3A_163] {strides = array<i32>} : memref<8192xf32, #tpu.memory_space<vmem>>, vector<16xf32>,
          %sub3A_165 = arith.subf %get3A_164, %scan3A_64 : vector<16xf32>
          %get3A_166 = arith.index_cast %mul3A_162 : i32 to index
          %get3A_167 = tpu.vector_load %arg8[%get3A_166] {strides = array<i32>} : memref<8192xf32, #tpu.memory_space<vmem>>, vector<16xf32>,
          %sub3A_168 = arith.subf %get3A_167, %scan3A_65 : vector<16xf32>
          %get3A_169 = arith.index_cast %mul3A_162 : i32 to index
          %get3A_170 = tpu.vector_load %arg9[%get3A_169] {strides = array<i32>} : memref<8192xf32, #tpu.memory_space<vmem>>, vector<16xf32>,
          %sub3A_171 = arith.subf %get3A_170, %scan3A_66 : vector<16xf32>
          %get3A_172 = arith.index_cast %mul3A_162 : i32 to index
          %get3A_173 = tpu.vector_load %arg10[%get3A_172] {strides = array<i32>} : memref<8192xf32, #tpu.memory_space<vmem>>, vector<16xf32>,
          %sub3A_174 = arith.subf %get3A_173, %scan3A_67 : vector<16xf32>
          %mul3A_175 = arith.mulf %sub3A_165, %sub3A_165 : vector<16xf32>
          %mul3A_176 = arith.mulf %sub3A_168, %sub3A_168 : vector<16xf32>
          %add3A_177 = arith.addf %mul3A_175, %mul3A_176 : vector<16xf32>
          %mul3A_178 = arith.mulf %sub3A_171, %sub3A_171 : vector<16xf32>
          %add3A_179 = arith.addf %add3A_177, %mul3A_178 : vector<16xf32>
          %mul3A_180 = arith.mulf %sub3A_174, %sub3A_174 : vector<16xf32>
          %add3A_181 = arith.addf %add3A_179, %mul3A_180 : vector<16xf32>
          %get3A_182 = arith.index_cast %mul3A_162 : i32 to index
          %get3A_183 = tpu.vector_load %arg11[%get3A_182] {strides = array<i32>} : memref<8192xf32, #tpu.memory_space<vmem>>, vector<16xf32>,
          %min3A_184 = arith.minimumf %get3A_183, %add3A_181 : vector<16xf32>
          %swap3A_185 = arith.index_cast %mul3A_162 : i32 to index
          %swap3A_186 = tpu.vector_load %arg11[%swap3A_185] {strides = array<i32>} : memref<8192xf32, #tpu.memory_space<vmem>>, vector<16xf32>,
          tpu.vector_store %arg11[%swap3A_185], %min3A_184 {strides = array<i32>} : memref<8192xf32, #tpu.memory_space<vmem>>, vector<16xf32>,
          %gt3A_187 = arith.cmpf ogt, %min3A_184, %select_n3A_155 : vector<16xf32>
          %select_n3A_188 = arith.select %gt3A_187, %min3A_184, %select_n3A_155 : vector<16xi1>, vector<16xf32>
          %add3A_189 = vector.broadcast %mul3A_162 : i32 to vector<16xi32>
          %add3A_190 = arith.addi %add3A_189, %iota3A : vector<16xi32>
          %select_n3A_191 = arith.select %gt3A_187, %add3A_190, %select_n3A_158 : vector<16xi1>, vector<16xi32>
          %scan3A_192 = arith.constant 2 : i32
          %scan3A_193 = arith.addi %scan3A_127, %scan3A_192 : i32
          %mul3A_194 = arith.constant 16 : i32
          %mul3A_195 = arith.muli %scan3A_193, %mul3A_194 : i32
          %get3A_196 = arith.index_cast %mul3A_195 : i32 to index
          %get3A_197 = tpu.vector_load %arg7[%get3A_196] {strides = array<i32>} : memref<8192xf32, #tpu.memory_space<vmem>>, vector<16xf32>,
          %sub3A_198 = arith.subf %get3A_197, %scan3A_64 : vector<16xf32>
          %get3A_199 = arith.index_cast %mul3A_195 : i32 to index
          %get3A_200 = tpu.vector_load %arg8[%get3A_199] {strides = array<i32>} : memref<8192xf32, #tpu.memory_space<vmem>>, vector<16xf32>,
          %sub3A_201 = arith.subf %get3A_200, %scan3A_65 : vector<16xf32>
          %get3A_202 = arith.index_cast %mul3A_195 : i32 to index
          %get3A_203 = tpu.vector_load %arg9[%get3A_202] {strides = array<i32>} : memref<8192xf32, #tpu.memory_space<vmem>>, vector<16xf32>,
          %sub3A_204 = arith.subf %get3A_203, %scan3A_66 : vector<16xf32>
          %get3A_205 = arith.index_cast %mul3A_195 : i32 to index
          %get3A_206 = tpu.vector_load %arg10[%get3A_205] {strides = array<i32>} : memref<8192xf32, #tpu.memory_space<vmem>>, vector<16xf32>,
          %sub3A_207 = arith.subf %get3A_206, %scan3A_67 : vector<16xf32>
          %mul3A_208 = arith.mulf %sub3A_198, %sub3A_198 : vector<16xf32>
          %mul3A_209 = arith.mulf %sub3A_201, %sub3A_201 : vector<16xf32>
          %add3A_210 = arith.addf %mul3A_208, %mul3A_209 : vector<16xf32>
          %mul3A_211 = arith.mulf %sub3A_204, %sub3A_204 : vector<16xf32>
          %add3A_212 = arith.addf %add3A_210, %mul3A_211 : vector<16xf32>
          %mul3A_213 = arith.mulf %sub3A_207, %sub3A_207 : vector<16xf32>
          %add3A_214 = arith.addf %add3A_212, %mul3A_213 : vector<16xf32>
          %get3A_215 = arith.index_cast %mul3A_195 : i32 to index
          %get3A_216 = tpu.vector_load %arg11[%get3A_215] {strides = array<i32>} : memref<8192xf32, #tpu.memory_space<vmem>>, vector<16xf32>,
          %min3A_217 = arith.minimumf %get3A_216, %add3A_214 : vector<16xf32>
          %swap3A_218 = arith.index_cast %mul3A_195 : i32 to index
          %swap3A_219 = tpu.vector_load %arg11[%swap3A_218] {strides = array<i32>} : memref<8192xf32, #tpu.memory_space<vmem>>, vector<16xf32>,
          tpu.vector_store %arg11[%swap3A_218], %min3A_217 {strides = array<i32>} : memref<8192xf32, #tpu.memory_space<vmem>>, vector<16xf32>,
          %gt3A_220 = arith.cmpf ogt, %min3A_217, %select_n3A_188 : vector<16xf32>
          %select_n3A_221 = arith.select %gt3A_220, %min3A_217, %select_n3A_188 : vector<16xi1>, vector<16xf32>
          %add3A_222 = vector.broadcast %mul3A_195 : i32 to vector<16xi32>
          %add3A_223 = arith.addi %add3A_222, %iota3A : vector<16xi32>
          %select_n3A_224 = arith.select %gt3A_220, %add3A_223, %select_n3A_191 : vector<16xi1>, vector<16xi32>
          %scan3A_225 = arith.constant 3 : i32
          %scan3A_226 = arith.addi %scan3A_127, %scan3A_225 : i32
          %mul3A_227 = arith.constant 16 : i32
          %mul3A_228 = arith.muli %scan3A_226, %mul3A_227 : i32
          %get3A_229 = arith.index_cast %mul3A_228 : i32 to index
          %get3A_230 = tpu.vector_load %arg7[%get3A_229] {strides = array<i32>} : memref<8192xf32, #tpu.memory_space<vmem>>, vector<16xf32>,
          %sub3A_231 = arith.subf %get3A_230, %scan3A_64 : vector<16xf32>
          %get3A_232 = arith.index_cast %mul3A_228 : i32 to index
          %get3A_233 = tpu.vector_load %arg8[%get3A_232] {strides = array<i32>} : memref<8192xf32, #tpu.memory_space<vmem>>, vector<16xf32>,
          %sub3A_234 = arith.subf %get3A_233, %scan3A_65 : vector<16xf32>
          %get3A_235 = arith.index_cast %mul3A_228 : i32 to index
          %get3A_236 = tpu.vector_load %arg9[%get3A_235] {strides = array<i32>} : memref<8192xf32, #tpu.memory_space<vmem>>, vector<16xf32>,
          %sub3A_237 = arith.subf %get3A_236, %scan3A_66 : vector<16xf32>
          %get3A_238 = arith.index_cast %mul3A_228 : i32 to index
          %get3A_239 = tpu.vector_load %arg10[%get3A_238] {strides = array<i32>} : memref<8192xf32, #tpu.memory_space<vmem>>, vector<16xf32>,
          %sub3A_240 = arith.subf %get3A_239, %scan3A_67 : vector<16xf32>
          %mul3A_241 = arith.mulf %sub3A_231, %sub3A_231 : vector<16xf32>
          %mul3A_242 = arith.mulf %sub3A_234, %sub3A_234 : vector<16xf32>
          %add3A_243 = arith.addf %mul3A_241, %mul3A_242 : vector<16xf32>
          %mul3A_244 = arith.mulf %sub3A_237, %sub3A_237 : vector<16xf32>
          %add3A_245 = arith.addf %add3A_243, %mul3A_244 : vector<16xf32>
          %mul3A_246 = arith.mulf %sub3A_240, %sub3A_240 : vector<16xf32>
          %add3A_247 = arith.addf %add3A_245, %mul3A_246 : vector<16xf32>
          %get3A_248 = arith.index_cast %mul3A_228 : i32 to index
          %get3A_249 = tpu.vector_load %arg11[%get3A_248] {strides = array<i32>} : memref<8192xf32, #tpu.memory_space<vmem>>, vector<16xf32>,
          %min3A_250 = arith.minimumf %get3A_249, %add3A_247 : vector<16xf32>
          %swap3A_251 = arith.index_cast %mul3A_228 : i32 to index
          %swap3A_252 = tpu.vector_load %arg11[%swap3A_251] {strides = array<i32>} : memref<8192xf32, #tpu.memory_space<vmem>>, vector<16xf32>,
          tpu.vector_store %arg11[%swap3A_251], %min3A_250 {strides = array<i32>} : memref<8192xf32, #tpu.memory_space<vmem>>, vector<16xf32>,
          %gt3A_253 = arith.cmpf ogt, %min3A_250, %select_n3A_221 : vector<16xf32>
          %select_n3A_254 = arith.select %gt3A_253, %min3A_250, %select_n3A_221 : vector<16xi1>, vector<16xf32>
          %add3A_255 = vector.broadcast %mul3A_228 : i32 to vector<16xi32>
          %add3A_256 = arith.addi %add3A_255, %iota3A : vector<16xi32>
          %select_n3A_257 = arith.select %gt3A_253, %add3A_256, %select_n3A_224 : vector<16xi1>, vector<16xi32>
          scf.yield %select_n3A_254, %select_n3A_257 : vector<16xf32>, vector<16xi32>
        }
        %scan3A_77 = arith.constant 512 : i32
        %masked_sort3A = arith.constant dense<true> : vector<16xi1>
        %masked_sort3A_78, %masked_sort3A_79, %masked_sort3A_80 = tpu.sort %scan3A_76#0, %scan3A_76#1 masked %masked_sort3A {descending = true} : (vector<16xf32>, vector<16xi32>, vector<16xi1>) -> (vector<16xi1>, vector<16xf32>, vector<16xi32>)
        %bitcast3A_81 = vector.bitcast %masked_sort3A_79 : vector<16xf32> to vector<16xi32>
        %swap3A_82 = arith.constant 16 : index
        %swap3A_83 = tpu.vector_load %arg13[%swap3A_82] {strides = array<i32>} : memref<32xi32, #tpu.memory_space<vmem>>, vector<16xi32>,
        tpu.vector_store %arg13[%swap3A_82], %bitcast3A_81 {strides = array<i32>} : memref<32xi32, #tpu.memory_space<vmem>>, vector<16xi32>,
        %gather3A_84 = tpu.vector_load_idx %arg13[%broadcast_in_dim3A_5] : memref<32xi32, #tpu.memory_space<vmem>>[vector<16xi32>], vector<16xi32>,
        %bitcast3A_85 = vector.bitcast %gather3A_84 : vector<16xi32> to vector<16xf32>
        %eq3A_86 = arith.cmpf oeq, %scan3A_76#0, %bitcast3A_85 : vector<16xf32>
        %jit3A = arith.constant 1073741824 : i32
        %broadcast_in_dim3A_87 = vector.broadcast %jit3A : i32 to vector<16xi32>
        %select_n3A_88 = arith.select %eq3A_86, %scan3A_76#1, %broadcast_in_dim3A_87 : vector<16xi1>, vector<16xi32>
        %masked_sort3A_89 = arith.constant dense<true> : vector<16xi1>
        %masked_sort3A_90 = arith.constant -2147483648 : i32
        %masked_sort3A_91 = vector.broadcast %masked_sort3A_90 : i32 to vector<16xi32>
        %masked_sort3A_92 = arith.xori %select_n3A_88, %masked_sort3A_91 : vector<16xi32>
        %masked_sort3A_93, %masked_sort3A_94, %masked_sort3A_95 = tpu.sort %masked_sort3A_92, %select_n3A_88 masked %masked_sort3A_89 : (vector<16xi32>, vector<16xi32>, vector<16xi1>) -> (vector<16xi1>, vector<16xi32>, vector<16xi32>)
        %masked_sort3A_96 = arith.xori %masked_sort3A_94, %masked_sort3A_91 : vector<16xi32>
        %swap3A_97 = arith.constant 16 : index
        %swap3A_98 = tpu.vector_load %arg13[%swap3A_97] {strides = array<i32>} : memref<32xi32, #tpu.memory_space<vmem>>, vector<16xi32>,
        tpu.vector_store %arg13[%swap3A_97], %masked_sort3A_96 {strides = array<i32>} : memref<32xi32, #tpu.memory_space<vmem>>, vector<16xi32>,
        %gather3A_99 = tpu.vector_load_idx %arg13[%broadcast_in_dim3A_5] : memref<32xi32, #tpu.memory_space<vmem>>[vector<16xi32>], vector<16xi32>,
        %gather3A_100 = tpu.vector_load_idx %arg7[%gather3A_99] : memref<8192xf32, #tpu.memory_space<vmem>>[vector<16xi32>], vector<16xf32>,
        %gather3A_101 = tpu.vector_load_idx %arg8[%gather3A_99] : memref<8192xf32, #tpu.memory_space<vmem>>[vector<16xi32>], vector<16xf32>,
        %gather3A_102 = tpu.vector_load_idx %arg9[%gather3A_99] : memref<8192xf32, #tpu.memory_space<vmem>>[vector<16xi32>], vector<16xf32>,
        %gather3A_103 = tpu.vector_load_idx %arg10[%gather3A_99] : memref<8192xf32, #tpu.memory_space<vmem>>[vector<16xi32>], vector<16xf32>,
        %eq3A_104 = arith.constant 0 : i32
        %eq3A_105 = vector.broadcast %eq3A_104 : i32 to vector<16xi32>
        %eq3A_106 = arith.cmpi eq, %iota3A, %eq3A_105 : vector<16xi32>
        %eq3A_107 = arith.constant 1 : i32
        %eq3A_108 = vector.broadcast %eq3A_107 : i32 to vector<16xi32>
        %eq3A_109 = arith.cmpi eq, %iota3A, %eq3A_108 : vector<16xi32>
        %eq3A_110 = arith.constant 2 : i32
        %eq3A_111 = vector.broadcast %eq3A_110 : i32 to vector<16xi32>
        %eq3A_112 = arith.cmpi eq, %iota3A, %eq3A_111 : vector<16xi32>
        %select_n3A_113 = arith.select %eq3A_112, %gather3A_102, %gather3A_103 : vector<16xi1>, vector<16xf32>
        %select_n3A_114 = arith.select %eq3A_109, %gather3A_101, %select_n3A_113 : vector<16xi1>, vector<16xf32>
        %select_n3A_115 = arith.select %eq3A_106, %gather3A_100, %select_n3A_114 : vector<16xi1>, vector<16xf32>
        %min3A_116 = arith.constant 3 : i32
        %min3A_117 = vector.broadcast %min3A_116 : i32 to vector<16xi32>
        %min3A_118 = arith.minsi %iota3A, %min3A_117 : vector<16xi32>
        %mul3A_119 = arith.constant 128 : i32
        %mul3A_120 = vector.broadcast %mul3A_119 : i32 to vector<16xi32>
        %mul3A_121 = arith.muli %mul3A_120, %min3A_118 : vector<16xi32>
        %add3A_122 = vector.broadcast %scan3A_63 : i32 to vector<16xi32>
        %add3A_123 = arith.addi %add3A_122, %mul3A_121 : vector<16xi32>
        %lt3A_124 = arith.constant 4 : i32
        %lt3A_125 = vector.broadcast %lt3A_124 : i32 to vector<16xi32>
        %lt3A_126 = arith.cmpi slt, %iota3A, %lt3A_125 : vector<16xi32>
        tpu.vector_store_idx %arg12[%add3A_123], %select_n3A_115 masked %lt3A_126 : memref<512xf32, #tpu.memory_space<vmem>>[vector<16xi32>], vector<16xf32>, vector<16xi1>
        scf.yield %gather3A_100, %gather3A_101, %gather3A_102, %gather3A_103 : vector<16xf32>, vector<16xf32>, vector<16xf32>, vector<16xf32>
      }
      %scan3A_62 = arith.constant 127 : i32
      "tpu.region"() ({
        %run_scoped3A = tpu.sem_alloc : memref<!tpu.dma_semaphore, #tpu.memory_space<semaphore_mem>>
        %dma_start3A = arith.constant 0 : i32
        %dma_start3A_63 = tpu.memref_slice %arg6[%add3A, %dma_start3A] : memref<8x512xf32, #tpu.memory_space<hbm>> -> memref<1x512xf32, #tpu.memory_space<hbm>>
        %dma_start3A_64 = tpu.memref_squeeze %dma_start3A_63 : memref<1x512xf32, #tpu.memory_space<hbm>> -> memref<512xf32, #tpu.memory_space<hbm>>
        %dma_start3A_65 = arith.constant 0 : i32
        %dma_start3A_66 = tpu.memref_slice %arg6[%add3A, %dma_start3A_65] : memref<8x512xf32, #tpu.memory_space<hbm>> -> memref<1x512xf32, #tpu.memory_space<hbm>>
        %dma_start3A_67 = tpu.memref_squeeze %dma_start3A_66 : memref<1x512xf32, #tpu.memory_space<hbm>> -> memref<512xf32, #tpu.memory_space<hbm>>
        tpu.enqueue_dma source(%arg12 : memref<512xf32, #tpu.memory_space<vmem>>) target(%dma_start3A_67 : memref<512xf32, #tpu.memory_space<hbm>>) target_semaphore(%run_scoped3A : memref<!tpu.dma_semaphore, #tpu.memory_space<semaphore_mem>>)
        %dma_wait3A = arith.constant 0 : i32
        %dma_wait3A_68 = tpu.memref_slice %arg6[%add3A, %dma_wait3A] : memref<8x512xf32, #tpu.memory_space<hbm>> -> memref<1x512xf32, #tpu.memory_space<hbm>>
        %dma_wait3A_69 = tpu.memref_squeeze %dma_wait3A_68 : memref<1x512xf32, #tpu.memory_space<hbm>> -> memref<512xf32, #tpu.memory_space<hbm>>
        %dma_wait3A_70 = arith.constant 0 : i32
        %dma_wait3A_71 = tpu.memref_slice %arg6[%add3A, %dma_wait3A_70] : memref<8x512xf32, #tpu.memory_space<hbm>> -> memref<1x512xf32, #tpu.memory_space<hbm>>
        %dma_wait3A_72 = tpu.memref_squeeze %dma_wait3A_71 : memref<1x512xf32, #tpu.memory_space<hbm>> -> memref<512xf32, #tpu.memory_space<hbm>>
        tpu.wait_dma2 semaphore(%run_scoped3A : memref<!tpu.dma_semaphore, #tpu.memory_space<semaphore_mem>>) src(%arg12 : memref<512xf32, #tpu.memory_space<vmem>>) dst(%dma_wait3A_72 : memref<512xf32, #tpu.memory_space<hbm>>)
        tpu.yield
      }) : () -> ()
    } else {
    }
    return
  }
}

#map = affine_map<(d0, d1) -> (0, 0)>
#map1 = affine_map<(d0, d1) -> (0)>
module attributes {stable_mosaic.version = 14 : i64} {
  func.func @k(%arg0: i32, %arg1: i32, %arg2: memref<65536x128xf32, #tpu.memory_space<hbm>>, %arg3: memref<16384xi32, #tpu.memory_space<hbm>>, %arg4: memref<16384x128xf32, #tpu.memory_space<hbm>>, %arg5: memref<512xi32, #tpu.memory_space<vmem>>, %arg6: memref<512x128xf32, #tpu.memory_space<vmem>>, %arg7: memref<!tpu.dma_semaphore, #tpu.memory_space<semaphore_mem>>) attributes {dimension_semantics = [#tpu.dimension_semantics<core_parallel>, #tpu.dimension_semantics<subcore_parallel>], iteration_bounds = array<i64: 2, 16>, scalar_prefetch = 0 : i64, scratch_operands = 3 : i64, tpu.core_type = #tpu.core_type<sc_vector_subcore>, window_params = [{transform_indices = #map}, {transform_indices = #map1}, {transform_indices = #map}]} {
    %mul3A = arith.constant 2 : i32
    %mul3A_0 = arith.muli %arg1, %mul3A : i32
    %add3A = arith.addi %mul3A_0, %arg0 : i32
    %mul3A_1 = arith.constant 512 : i32
    %mul3A_2 = arith.muli %add3A, %mul3A_1 : i32
    "tpu.region"() ({
      %run_scoped3A = tpu.sem_alloc : memref<!tpu.dma_semaphore, #tpu.memory_space<semaphore_mem>>
      %dma_start3A_7 = tpu.memref_slice %arg3[%mul3A_2] : memref<16384xi32, #tpu.memory_space<hbm>> -> memref<512xi32, #tpu.memory_space<hbm>>
      %dma_start3A_8 = tpu.memref_slice %arg3[%mul3A_2] : memref<16384xi32, #tpu.memory_space<hbm>> -> memref<512xi32, #tpu.memory_space<hbm>>
      tpu.enqueue_dma source(%dma_start3A_8 : memref<512xi32, #tpu.memory_space<hbm>>) target(%arg5 : memref<512xi32, #tpu.memory_space<vmem>>) target_semaphore(%run_scoped3A : memref<!tpu.dma_semaphore, #tpu.memory_space<semaphore_mem>>)
      %dma_wait3A_9 = tpu.memref_slice %arg3[%mul3A_2] : memref<16384xi32, #tpu.memory_space<hbm>> -> memref<512xi32, #tpu.memory_space<hbm>>
      %dma_wait3A_10 = tpu.memref_slice %arg3[%mul3A_2] : memref<16384xi32, #tpu.memory_space<hbm>> -> memref<512xi32, #tpu.memory_space<hbm>>
      tpu.wait_dma2 semaphore(%run_scoped3A : memref<!tpu.dma_semaphore, #tpu.memory_space<semaphore_mem>>) src(%dma_wait3A_10 : memref<512xi32, #tpu.memory_space<hbm>>) dst(%arg5 : memref<512xi32, #tpu.memory_space<vmem>>)
      tpu.yield
    }) : () -> ()
    %dma_start3A = arith.constant 0 : i32
    %dma_start3A_3 = arith.constant 0 : i32
    %dma_start3A_4 = tpu.memref_slice %arg2[%dma_start3A, %dma_start3A_3] : memref<65536x128xf32, #tpu.memory_space<hbm>> -> memref<65536x128xf32, #tpu.memory_space<hbm>>
    tpu.enqueue_indirect_dma source(%dma_start3A_4 : memref<65536x128xf32, #tpu.memory_space<hbm>>) target(%arg6 : memref<512x128xf32, #tpu.memory_space<vmem>>) offsets(%arg5 : memref<512xi32, #tpu.memory_space<vmem>>) semaphore(%arg7 : memref<!tpu.dma_semaphore, #tpu.memory_space<semaphore_mem>>)
    %dma_wait3A = arith.constant 0 : i32
    %dma_wait3A_5 = arith.constant 0 : i32
    %dma_wait3A_6 = tpu.memref_slice %arg2[%dma_wait3A, %dma_wait3A_5] : memref<65536x128xf32, #tpu.memory_space<hbm>> -> memref<65536x128xf32, #tpu.memory_space<hbm>>
    tpu.wait_indirect_dma semaphore(%arg7 : memref<!tpu.dma_semaphore, #tpu.memory_space<semaphore_mem>>) src(%dma_wait3A_6 : memref<65536x128xf32, #tpu.memory_space<hbm>>) dst(%arg6 : memref<512x128xf32, #tpu.memory_space<vmem>>)
    "tpu.region"() ({
      %run_scoped3A = tpu.sem_alloc : memref<!tpu.dma_semaphore, #tpu.memory_space<semaphore_mem>>
      %dma_start3A_7 = arith.constant 0 : i32
      %dma_start3A_8 = tpu.memref_slice %arg4[%mul3A_2, %dma_start3A_7] : memref<16384x128xf32, #tpu.memory_space<hbm>> -> memref<512x128xf32, #tpu.memory_space<hbm>>
      %dma_start3A_9 = arith.constant 0 : i32
      %dma_start3A_10 = tpu.memref_slice %arg4[%mul3A_2, %dma_start3A_9] : memref<16384x128xf32, #tpu.memory_space<hbm>> -> memref<512x128xf32, #tpu.memory_space<hbm>>
      tpu.enqueue_dma source(%arg6 : memref<512x128xf32, #tpu.memory_space<vmem>>) target(%dma_start3A_10 : memref<512x128xf32, #tpu.memory_space<hbm>>) target_semaphore(%run_scoped3A : memref<!tpu.dma_semaphore, #tpu.memory_space<semaphore_mem>>)
      %dma_wait3A_11 = arith.constant 0 : i32
      %dma_wait3A_12 = tpu.memref_slice %arg4[%mul3A_2, %dma_wait3A_11] : memref<16384x128xf32, #tpu.memory_space<hbm>> -> memref<512x128xf32, #tpu.memory_space<hbm>>
      %dma_wait3A_13 = arith.constant 0 : i32
      %dma_wait3A_14 = tpu.memref_slice %arg4[%mul3A_2, %dma_wait3A_13] : memref<16384x128xf32, #tpu.memory_space<hbm>> -> memref<512x128xf32, #tpu.memory_space<hbm>>
      tpu.wait_dma2 semaphore(%run_scoped3A : memref<!tpu.dma_semaphore, #tpu.memory_space<semaphore_mem>>) src(%arg6 : memref<512x128xf32, #tpu.memory_space<vmem>>) dst(%dma_wait3A_14 : memref<512x128xf32, #tpu.memory_space<hbm>>)
      tpu.yield
    }) : () -> ()
    return
  }
}

module attributes {stable_mosaic.version = 14 : i64} {
  func.func @body(%arg0: i32, %arg1: memref<1x128x4xf32, #tpu.memory_space<vmem>>, %arg2: memref<1x4x8192xf32, #tpu.memory_space<vmem>>, %arg3: memref<1x128x16xi32, #tpu.memory_space<vmem>>) attributes {dimension_semantics = [#tpu.dimension_semantics<arbitrary>], iteration_bounds = array<i64: 8>, scalar_prefetch = 0 : i64, scratch_operands = 0 : i64, tpu.core_type = #tpu.core_type<tc>, window_params = [{transform_indices = @transform_0, window_bounds = array<i64: 1, 128, 4>}, {transform_indices = @transform_1, window_bounds = array<i64: 1, 4, 8192>}, {transform_indices = @transform_2, window_bounds = array<i64: 1, 128, 16>}]} {
    %get3A = arith.constant 0 : index
    %get3A_0 = arith.constant 0 : index
    %get3A_1 = arith.constant 0 : index
    %get3A_2 = vector.load %arg1[%get3A, %get3A_0, %get3A_1] : memref<1x128x4xf32, #tpu.memory_space<vmem>>, vector<1x128x4xf32>
    %get3A_3 = vector.shape_cast %get3A_2 : vector<1x128x4xf32> to vector<128x4xf32>
    %get3A_4 = arith.constant 0 : index
    %get3A_5 = arith.constant 0 : index
    %get3A_6 = arith.constant 0 : index
    %get3A_7 = vector.load %arg2[%get3A_4, %get3A_5, %get3A_6] : memref<1x4x8192xf32, #tpu.memory_space<vmem>>, vector<1x4x8192xf32>
    %get3A_8 = vector.shape_cast %get3A_7 : vector<1x4x8192xf32> to vector<4x8192xf32>
    %broadcast_in_dim3A = arith.constant 0.000000e+00 : f32
    %broadcast_in_dim3A_9 = vector.broadcast %broadcast_in_dim3A : f32 to vector<128x8192xf32>
    %slice3A = vector.extract_strided_slice %get3A_3 {offsets = [0, 0], sizes = [128, 1], strides = [1, 1]} : vector<128x4xf32> to vector<128x1xf32>
    %slice3A_10 = vector.extract_strided_slice %get3A_8 {offsets = [0, 0], sizes = [1, 8192], strides = [1, 1]} : vector<4x8192xf32> to vector<1x8192xf32>
    %sub3A = vector.broadcast %slice3A : vector<128x1xf32> to vector<128x8192xf32>
    %sub3A_11 = vector.broadcast %slice3A_10 : vector<1x8192xf32> to vector<128x8192xf32>
    %sub3A_12 = arith.subf %sub3A, %sub3A_11 : vector<128x8192xf32>
    %mul3A = arith.mulf %sub3A_12, %sub3A_12 : vector<128x8192xf32>
    %add3A = arith.addf %broadcast_in_dim3A_9, %mul3A : vector<128x8192xf32>
    %slice3A_13 = vector.extract_strided_slice %get3A_3 {offsets = [0, 1], sizes = [128, 1], strides = [1, 1]} : vector<128x4xf32> to vector<128x1xf32>
    %slice3A_14 = vector.extract_strided_slice %get3A_8 {offsets = [1, 0], sizes = [1, 8192], strides = [1, 1]} : vector<4x8192xf32> to vector<1x8192xf32>
    %sub3A_15 = vector.broadcast %slice3A_13 : vector<128x1xf32> to vector<128x8192xf32>
    %sub3A_16 = vector.broadcast %slice3A_14 : vector<1x8192xf32> to vector<128x8192xf32>
    %sub3A_17 = arith.subf %sub3A_15, %sub3A_16 : vector<128x8192xf32>
    %mul3A_18 = arith.mulf %sub3A_17, %sub3A_17 : vector<128x8192xf32>
    %add3A_19 = arith.addf %add3A, %mul3A_18 : vector<128x8192xf32>
    %slice3A_20 = vector.extract_strided_slice %get3A_3 {offsets = [0, 2], sizes = [128, 1], strides = [1, 1]} : vector<128x4xf32> to vector<128x1xf32>
    %slice3A_21 = vector.extract_strided_slice %get3A_8 {offsets = [2, 0], sizes = [1, 8192], strides = [1, 1]} : vector<4x8192xf32> to vector<1x8192xf32>
    %sub3A_22 = vector.broadcast %slice3A_20 : vector<128x1xf32> to vector<128x8192xf32>
    %sub3A_23 = vector.broadcast %slice3A_21 : vector<1x8192xf32> to vector<128x8192xf32>
    %sub3A_24 = arith.subf %sub3A_22, %sub3A_23 : vector<128x8192xf32>
    %mul3A_25 = arith.mulf %sub3A_24, %sub3A_24 : vector<128x8192xf32>
    %add3A_26 = arith.addf %add3A_19, %mul3A_25 : vector<128x8192xf32>
    %slice3A_27 = vector.extract_strided_slice %get3A_3 {offsets = [0, 3], sizes = [128, 1], strides = [1, 1]} : vector<128x4xf32> to vector<128x1xf32>
    %slice3A_28 = vector.extract_strided_slice %get3A_8 {offsets = [3, 0], sizes = [1, 8192], strides = [1, 1]} : vector<4x8192xf32> to vector<1x8192xf32>
    %sub3A_29 = vector.broadcast %slice3A_27 : vector<128x1xf32> to vector<128x8192xf32>
    %sub3A_30 = vector.broadcast %slice3A_28 : vector<1x8192xf32> to vector<128x8192xf32>
    %sub3A_31 = arith.subf %sub3A_29, %sub3A_30 : vector<128x8192xf32>
    %mul3A_32 = arith.mulf %sub3A_31, %sub3A_31 : vector<128x8192xf32>
    %add3A_33 = arith.addf %add3A_26, %mul3A_32 : vector<128x8192xf32>
    %iota3A = tpu.iota {dimensions = array<i32: 1>} : vector<128x8192xi32>
    %reduce_min3A = arith.constant dense<0x7F800000> : vector<128xf32>
    %reduce_min3A_34 = vector.multi_reduction <minimumf>, %add3A_33, %reduce_min3A [1] : vector<128x8192xf32> to vector<128xf32>
    %broadcast_in_dim3A_35 = vector.shape_cast %reduce_min3A_34 : vector<128xf32> to vector<128x1xf32>
    %eq3A = vector.broadcast %broadcast_in_dim3A_35 : vector<128x1xf32> to vector<128x8192xf32>
    %eq3A_36 = arith.cmpf oeq, %add3A_33, %eq3A : vector<128x8192xf32>
    %jit3A = arith.constant 1073741824 : i32
    %broadcast_in_dim3A_37 = vector.broadcast %jit3A : i32 to vector<128x8192xi32>
    %select_n3A = arith.select %eq3A_36, %iota3A, %broadcast_in_dim3A_37 : vector<128x8192xi1>, vector<128x8192xi32>
    %reduce_min3A_38 = arith.constant dense<2147483647> : vector<128xi32>
    %reduce_min3A_39 = vector.multi_reduction <minsi>, %select_n3A, %reduce_min3A_38 [1] : vector<128x8192xi32> to vector<128xi32>
    %broadcast_in_dim3A_40 = vector.shape_cast %reduce_min3A_39 : vector<128xi32> to vector<128x1xi32>
    %eq3A_41 = vector.broadcast %broadcast_in_dim3A_40 : vector<128x1xi32> to vector<128x8192xi32>
    %eq3A_42 = arith.cmpi eq, %iota3A, %eq3A_41 : vector<128x8192xi32>
    %jit3A_43 = arith.constant 0x7F800000 : f32
    %broadcast_in_dim3A_44 = vector.broadcast %jit3A_43 : f32 to vector<128x8192xf32>
    %select_n3A_45 = arith.select %eq3A_42, %broadcast_in_dim3A_44, %add3A_33 : vector<128x8192xi1>, vector<128x8192xf32>
    %reduce_min3A_46 = arith.constant dense<0x7F800000> : vector<128xf32>
    %reduce_min3A_47 = vector.multi_reduction <minimumf>, %select_n3A_45, %reduce_min3A_46 [1] : vector<128x8192xf32> to vector<128xf32>
    %broadcast_in_dim3A_48 = vector.shape_cast %reduce_min3A_47 : vector<128xf32> to vector<128x1xf32>
    %eq3A_49 = vector.broadcast %broadcast_in_dim3A_48 : vector<128x1xf32> to vector<128x8192xf32>
    %eq3A_50 = arith.cmpf oeq, %select_n3A_45, %eq3A_49 : vector<128x8192xf32>
    %jit3A_51 = arith.constant 1073741824 : i32
    %broadcast_in_dim3A_52 = vector.broadcast %jit3A_51 : i32 to vector<128x8192xi32>
    %select_n3A_53 = arith.select %eq3A_50, %iota3A, %broadcast_in_dim3A_52 : vector<128x8192xi1>, vector<128x8192xi32>
    %reduce_min3A_54 = arith.constant dense<2147483647> : vector<128xi32>
    %reduce_min3A_55 = vector.multi_reduction <minsi>, %select_n3A_53, %reduce_min3A_54 [1] : vector<128x8192xi32> to vector<128xi32>
    %broadcast_in_dim3A_56 = vector.shape_cast %reduce_min3A_55 : vector<128xi32> to vector<128x1xi32>
    %eq3A_57 = vector.broadcast %broadcast_in_dim3A_56 : vector<128x1xi32> to vector<128x8192xi32>
    %eq3A_58 = arith.cmpi eq, %iota3A, %eq3A_57 : vector<128x8192xi32>
    %jit3A_59 = arith.constant 0x7F800000 : f32
    %broadcast_in_dim3A_60 = vector.broadcast %jit3A_59 : f32 to vector<128x8192xf32>
    %select_n3A_61 = arith.select %eq3A_58, %broadcast_in_dim3A_60, %select_n3A_45 : vector<128x8192xi1>, vector<128x8192xf32>
    %reduce_min3A_62 = arith.constant dense<0x7F800000> : vector<128xf32>
    %reduce_min3A_63 = vector.multi_reduction <minimumf>, %select_n3A_61, %reduce_min3A_62 [1] : vector<128x8192xf32> to vector<128xf32>
    %broadcast_in_dim3A_64 = vector.shape_cast %reduce_min3A_63 : vector<128xf32> to vector<128x1xf32>
    %eq3A_65 = vector.broadcast %broadcast_in_dim3A_64 : vector<128x1xf32> to vector<128x8192xf32>
    %eq3A_66 = arith.cmpf oeq, %select_n3A_61, %eq3A_65 : vector<128x8192xf32>
    %jit3A_67 = arith.constant 1073741824 : i32
    %broadcast_in_dim3A_68 = vector.broadcast %jit3A_67 : i32 to vector<128x8192xi32>
    %select_n3A_69 = arith.select %eq3A_66, %iota3A, %broadcast_in_dim3A_68 : vector<128x8192xi1>, vector<128x8192xi32>
    %reduce_min3A_70 = arith.constant dense<2147483647> : vector<128xi32>
    %reduce_min3A_71 = vector.multi_reduction <minsi>, %select_n3A_69, %reduce_min3A_70 [1] : vector<128x8192xi32> to vector<128xi32>
    %broadcast_in_dim3A_72 = vector.shape_cast %reduce_min3A_71 : vector<128xi32> to vector<128x1xi32>
    %eq3A_73 = vector.broadcast %broadcast_in_dim3A_72 : vector<128x1xi32> to vector<128x8192xi32>
    %eq3A_74 = arith.cmpi eq, %iota3A, %eq3A_73 : vector<128x8192xi32>
    %jit3A_75 = arith.constant 0x7F800000 : f32
    %broadcast_in_dim3A_76 = vector.broadcast %jit3A_75 : f32 to vector<128x8192xf32>
    %select_n3A_77 = arith.select %eq3A_74, %broadcast_in_dim3A_76, %select_n3A_61 : vector<128x8192xi1>, vector<128x8192xf32>
    %reduce_min3A_78 = arith.constant dense<0x7F800000> : vector<128xf32>
    %reduce_min3A_79 = vector.multi_reduction <minimumf>, %select_n3A_77, %reduce_min3A_78 [1] : vector<128x8192xf32> to vector<128xf32>
    %broadcast_in_dim3A_80 = vector.shape_cast %reduce_min3A_79 : vector<128xf32> to vector<128x1xf32>
    %eq3A_81 = vector.broadcast %broadcast_in_dim3A_80 : vector<128x1xf32> to vector<128x8192xf32>
    %eq3A_82 = arith.cmpf oeq, %select_n3A_77, %eq3A_81 : vector<128x8192xf32>
    %jit3A_83 = arith.constant 1073741824 : i32
    %broadcast_in_dim3A_84 = vector.broadcast %jit3A_83 : i32 to vector<128x8192xi32>
    %select_n3A_85 = arith.select %eq3A_82, %iota3A, %broadcast_in_dim3A_84 : vector<128x8192xi1>, vector<128x8192xi32>
    %reduce_min3A_86 = arith.constant dense<2147483647> : vector<128xi32>
    %reduce_min3A_87 = vector.multi_reduction <minsi>, %select_n3A_85, %reduce_min3A_86 [1] : vector<128x8192xi32> to vector<128xi32>
    %broadcast_in_dim3A_88 = vector.shape_cast %reduce_min3A_87 : vector<128xi32> to vector<128x1xi32>
    %eq3A_89 = vector.broadcast %broadcast_in_dim3A_88 : vector<128x1xi32> to vector<128x8192xi32>
    %eq3A_90 = arith.cmpi eq, %iota3A, %eq3A_89 : vector<128x8192xi32>
    %jit3A_91 = arith.constant 0x7F800000 : f32
    %broadcast_in_dim3A_92 = vector.broadcast %jit3A_91 : f32 to vector<128x8192xf32>
    %select_n3A_93 = arith.select %eq3A_90, %broadcast_in_dim3A_92, %select_n3A_77 : vector<128x8192xi1>, vector<128x8192xf32>
    %reduce_min3A_94 = arith.constant dense<0x7F800000> : vector<128xf32>
    %reduce_min3A_95 = vector.multi_reduction <minimumf>, %select_n3A_93, %reduce_min3A_94 [1] : vector<128x8192xf32> to vector<128xf32>
    %broadcast_in_dim3A_96 = vector.shape_cast %reduce_min3A_95 : vector<128xf32> to vector<128x1xf32>
    %eq3A_97 = vector.broadcast %broadcast_in_dim3A_96 : vector<128x1xf32> to vector<128x8192xf32>
    %eq3A_98 = arith.cmpf oeq, %select_n3A_93, %eq3A_97 : vector<128x8192xf32>
    %jit3A_99 = arith.constant 1073741824 : i32
    %broadcast_in_dim3A_100 = vector.broadcast %jit3A_99 : i32 to vector<128x8192xi32>
    %select_n3A_101 = arith.select %eq3A_98, %iota3A, %broadcast_in_dim3A_100 : vector<128x8192xi1>, vector<128x8192xi32>
    %reduce_min3A_102 = arith.constant dense<2147483647> : vector<128xi32>
    %reduce_min3A_103 = vector.multi_reduction <minsi>, %select_n3A_101, %reduce_min3A_102 [1] : vector<128x8192xi32> to vector<128xi32>
    %broadcast_in_dim3A_104 = vector.shape_cast %reduce_min3A_103 : vector<128xi32> to vector<128x1xi32>
    %eq3A_105 = vector.broadcast %broadcast_in_dim3A_104 : vector<128x1xi32> to vector<128x8192xi32>
    %eq3A_106 = arith.cmpi eq, %iota3A, %eq3A_105 : vector<128x8192xi32>
    %jit3A_107 = arith.constant 0x7F800000 : f32
    %broadcast_in_dim3A_108 = vector.broadcast %jit3A_107 : f32 to vector<128x8192xf32>
    %select_n3A_109 = arith.select %eq3A_106, %broadcast_in_dim3A_108, %select_n3A_93 : vector<128x8192xi1>, vector<128x8192xf32>
    %reduce_min3A_110 = arith.constant dense<0x7F800000> : vector<128xf32>
    %reduce_min3A_111 = vector.multi_reduction <minimumf>, %select_n3A_109, %reduce_min3A_110 [1] : vector<128x8192xf32> to vector<128xf32>
    %broadcast_in_dim3A_112 = vector.shape_cast %reduce_min3A_111 : vector<128xf32> to vector<128x1xf32>
    %eq3A_113 = vector.broadcast %broadcast_in_dim3A_112 : vector<128x1xf32> to vector<128x8192xf32>
    %eq3A_114 = arith.cmpf oeq, %select_n3A_109, %eq3A_113 : vector<128x8192xf32>
    %jit3A_115 = arith.constant 1073741824 : i32
    %broadcast_in_dim3A_116 = vector.broadcast %jit3A_115 : i32 to vector<128x8192xi32>
    %select_n3A_117 = arith.select %eq3A_114, %iota3A, %broadcast_in_dim3A_116 : vector<128x8192xi1>, vector<128x8192xi32>
    %reduce_min3A_118 = arith.constant dense<2147483647> : vector<128xi32>
    %reduce_min3A_119 = vector.multi_reduction <minsi>, %select_n3A_117, %reduce_min3A_118 [1] : vector<128x8192xi32> to vector<128xi32>
    %broadcast_in_dim3A_120 = vector.shape_cast %reduce_min3A_119 : vector<128xi32> to vector<128x1xi32>
    %eq3A_121 = vector.broadcast %broadcast_in_dim3A_120 : vector<128x1xi32> to vector<128x8192xi32>
    %eq3A_122 = arith.cmpi eq, %iota3A, %eq3A_121 : vector<128x8192xi32>
    %jit3A_123 = arith.constant 0x7F800000 : f32
    %broadcast_in_dim3A_124 = vector.broadcast %jit3A_123 : f32 to vector<128x8192xf32>
    %select_n3A_125 = arith.select %eq3A_122, %broadcast_in_dim3A_124, %select_n3A_109 : vector<128x8192xi1>, vector<128x8192xf32>
    %reduce_min3A_126 = arith.constant dense<0x7F800000> : vector<128xf32>
    %reduce_min3A_127 = vector.multi_reduction <minimumf>, %select_n3A_125, %reduce_min3A_126 [1] : vector<128x8192xf32> to vector<128xf32>
    %broadcast_in_dim3A_128 = vector.shape_cast %reduce_min3A_127 : vector<128xf32> to vector<128x1xf32>
    %eq3A_129 = vector.broadcast %broadcast_in_dim3A_128 : vector<128x1xf32> to vector<128x8192xf32>
    %eq3A_130 = arith.cmpf oeq, %select_n3A_125, %eq3A_129 : vector<128x8192xf32>
    %jit3A_131 = arith.constant 1073741824 : i32
    %broadcast_in_dim3A_132 = vector.broadcast %jit3A_131 : i32 to vector<128x8192xi32>
    %select_n3A_133 = arith.select %eq3A_130, %iota3A, %broadcast_in_dim3A_132 : vector<128x8192xi1>, vector<128x8192xi32>
    %reduce_min3A_134 = arith.constant dense<2147483647> : vector<128xi32>
    %reduce_min3A_135 = vector.multi_reduction <minsi>, %select_n3A_133, %reduce_min3A_134 [1] : vector<128x8192xi32> to vector<128xi32>
    %broadcast_in_dim3A_136 = vector.shape_cast %reduce_min3A_135 : vector<128xi32> to vector<128x1xi32>
    %eq3A_137 = vector.broadcast %broadcast_in_dim3A_136 : vector<128x1xi32> to vector<128x8192xi32>
    %eq3A_138 = arith.cmpi eq, %iota3A, %eq3A_137 : vector<128x8192xi32>
    %jit3A_139 = arith.constant 0x7F800000 : f32
    %broadcast_in_dim3A_140 = vector.broadcast %jit3A_139 : f32 to vector<128x8192xf32>
    %select_n3A_141 = arith.select %eq3A_138, %broadcast_in_dim3A_140, %select_n3A_125 : vector<128x8192xi1>, vector<128x8192xf32>
    %reduce_min3A_142 = arith.constant dense<0x7F800000> : vector<128xf32>
    %reduce_min3A_143 = vector.multi_reduction <minimumf>, %select_n3A_141, %reduce_min3A_142 [1] : vector<128x8192xf32> to vector<128xf32>
    %broadcast_in_dim3A_144 = vector.shape_cast %reduce_min3A_143 : vector<128xf32> to vector<128x1xf32>
    %eq3A_145 = vector.broadcast %broadcast_in_dim3A_144 : vector<128x1xf32> to vector<128x8192xf32>
    %eq3A_146 = arith.cmpf oeq, %select_n3A_141, %eq3A_145 : vector<128x8192xf32>
    %jit3A_147 = arith.constant 1073741824 : i32
    %broadcast_in_dim3A_148 = vector.broadcast %jit3A_147 : i32 to vector<128x8192xi32>
    %select_n3A_149 = arith.select %eq3A_146, %iota3A, %broadcast_in_dim3A_148 : vector<128x8192xi1>, vector<128x8192xi32>
    %reduce_min3A_150 = arith.constant dense<2147483647> : vector<128xi32>
    %reduce_min3A_151 = vector.multi_reduction <minsi>, %select_n3A_149, %reduce_min3A_150 [1] : vector<128x8192xi32> to vector<128xi32>
    %broadcast_in_dim3A_152 = vector.shape_cast %reduce_min3A_151 : vector<128xi32> to vector<128x1xi32>
    %eq3A_153 = vector.broadcast %broadcast_in_dim3A_152 : vector<128x1xi32> to vector<128x8192xi32>
    %eq3A_154 = arith.cmpi eq, %iota3A, %eq3A_153 : vector<128x8192xi32>
    %jit3A_155 = arith.constant 0x7F800000 : f32
    %broadcast_in_dim3A_156 = vector.broadcast %jit3A_155 : f32 to vector<128x8192xf32>
    %select_n3A_157 = arith.select %eq3A_154, %broadcast_in_dim3A_156, %select_n3A_141 : vector<128x8192xi1>, vector<128x8192xf32>
    %reduce_min3A_158 = arith.constant dense<0x7F800000> : vector<128xf32>
    %reduce_min3A_159 = vector.multi_reduction <minimumf>, %select_n3A_157, %reduce_min3A_158 [1] : vector<128x8192xf32> to vector<128xf32>
    %broadcast_in_dim3A_160 = vector.shape_cast %reduce_min3A_159 : vector<128xf32> to vector<128x1xf32>
    %eq3A_161 = vector.broadcast %broadcast_in_dim3A_160 : vector<128x1xf32> to vector<128x8192xf32>
    %eq3A_162 = arith.cmpf oeq, %select_n3A_157, %eq3A_161 : vector<128x8192xf32>
    %jit3A_163 = arith.constant 1073741824 : i32
    %broadcast_in_dim3A_164 = vector.broadcast %jit3A_163 : i32 to vector<128x8192xi32>
    %select_n3A_165 = arith.select %eq3A_162, %iota3A, %broadcast_in_dim3A_164 : vector<128x8192xi1>, vector<128x8192xi32>
    %reduce_min3A_166 = arith.constant dense<2147483647> : vector<128xi32>
    %reduce_min3A_167 = vector.multi_reduction <minsi>, %select_n3A_165, %reduce_min3A_166 [1] : vector<128x8192xi32> to vector<128xi32>
    %broadcast_in_dim3A_168 = vector.shape_cast %reduce_min3A_167 : vector<128xi32> to vector<128x1xi32>
    %eq3A_169 = vector.broadcast %broadcast_in_dim3A_168 : vector<128x1xi32> to vector<128x8192xi32>
    %eq3A_170 = arith.cmpi eq, %iota3A, %eq3A_169 : vector<128x8192xi32>
    %jit3A_171 = arith.constant 0x7F800000 : f32
    %broadcast_in_dim3A_172 = vector.broadcast %jit3A_171 : f32 to vector<128x8192xf32>
    %select_n3A_173 = arith.select %eq3A_170, %broadcast_in_dim3A_172, %select_n3A_157 : vector<128x8192xi1>, vector<128x8192xf32>
    %reduce_min3A_174 = arith.constant dense<0x7F800000> : vector<128xf32>
    %reduce_min3A_175 = vector.multi_reduction <minimumf>, %select_n3A_173, %reduce_min3A_174 [1] : vector<128x8192xf32> to vector<128xf32>
    %broadcast_in_dim3A_176 = vector.shape_cast %reduce_min3A_175 : vector<128xf32> to vector<128x1xf32>
    %eq3A_177 = vector.broadcast %broadcast_in_dim3A_176 : vector<128x1xf32> to vector<128x8192xf32>
    %eq3A_178 = arith.cmpf oeq, %select_n3A_173, %eq3A_177 : vector<128x8192xf32>
    %jit3A_179 = arith.constant 1073741824 : i32
    %broadcast_in_dim3A_180 = vector.broadcast %jit3A_179 : i32 to vector<128x8192xi32>
    %select_n3A_181 = arith.select %eq3A_178, %iota3A, %broadcast_in_dim3A_180 : vector<128x8192xi1>, vector<128x8192xi32>
    %reduce_min3A_182 = arith.constant dense<2147483647> : vector<128xi32>
    %reduce_min3A_183 = vector.multi_reduction <minsi>, %select_n3A_181, %reduce_min3A_182 [1] : vector<128x8192xi32> to vector<128xi32>
    %broadcast_in_dim3A_184 = vector.shape_cast %reduce_min3A_183 : vector<128xi32> to vector<128x1xi32>
    %eq3A_185 = vector.broadcast %broadcast_in_dim3A_184 : vector<128x1xi32> to vector<128x8192xi32>
    %eq3A_186 = arith.cmpi eq, %iota3A, %eq3A_185 : vector<128x8192xi32>
    %jit3A_187 = arith.constant 0x7F800000 : f32
    %broadcast_in_dim3A_188 = vector.broadcast %jit3A_187 : f32 to vector<128x8192xf32>
    %select_n3A_189 = arith.select %eq3A_186, %broadcast_in_dim3A_188, %select_n3A_173 : vector<128x8192xi1>, vector<128x8192xf32>
    %reduce_min3A_190 = arith.constant dense<0x7F800000> : vector<128xf32>
    %reduce_min3A_191 = vector.multi_reduction <minimumf>, %select_n3A_189, %reduce_min3A_190 [1] : vector<128x8192xf32> to vector<128xf32>
    %broadcast_in_dim3A_192 = vector.shape_cast %reduce_min3A_191 : vector<128xf32> to vector<128x1xf32>
    %eq3A_193 = vector.broadcast %broadcast_in_dim3A_192 : vector<128x1xf32> to vector<128x8192xf32>
    %eq3A_194 = arith.cmpf oeq, %select_n3A_189, %eq3A_193 : vector<128x8192xf32>
    %jit3A_195 = arith.constant 1073741824 : i32
    %broadcast_in_dim3A_196 = vector.broadcast %jit3A_195 : i32 to vector<128x8192xi32>
    %select_n3A_197 = arith.select %eq3A_194, %iota3A, %broadcast_in_dim3A_196 : vector<128x8192xi1>, vector<128x8192xi32>
    %reduce_min3A_198 = arith.constant dense<2147483647> : vector<128xi32>
    %reduce_min3A_199 = vector.multi_reduction <minsi>, %select_n3A_197, %reduce_min3A_198 [1] : vector<128x8192xi32> to vector<128xi32>
    %broadcast_in_dim3A_200 = vector.shape_cast %reduce_min3A_199 : vector<128xi32> to vector<128x1xi32>
    %eq3A_201 = vector.broadcast %broadcast_in_dim3A_200 : vector<128x1xi32> to vector<128x8192xi32>
    %eq3A_202 = arith.cmpi eq, %iota3A, %eq3A_201 : vector<128x8192xi32>
    %jit3A_203 = arith.constant 0x7F800000 : f32
    %broadcast_in_dim3A_204 = vector.broadcast %jit3A_203 : f32 to vector<128x8192xf32>
    %select_n3A_205 = arith.select %eq3A_202, %broadcast_in_dim3A_204, %select_n3A_189 : vector<128x8192xi1>, vector<128x8192xf32>
    %reduce_min3A_206 = arith.constant dense<0x7F800000> : vector<128xf32>
    %reduce_min3A_207 = vector.multi_reduction <minimumf>, %select_n3A_205, %reduce_min3A_206 [1] : vector<128x8192xf32> to vector<128xf32>
    %broadcast_in_dim3A_208 = vector.shape_cast %reduce_min3A_207 : vector<128xf32> to vector<128x1xf32>
    %eq3A_209 = vector.broadcast %broadcast_in_dim3A_208 : vector<128x1xf32> to vector<128x8192xf32>
    %eq3A_210 = arith.cmpf oeq, %select_n3A_205, %eq3A_209 : vector<128x8192xf32>
    %jit3A_211 = arith.constant 1073741824 : i32
    %broadcast_in_dim3A_212 = vector.broadcast %jit3A_211 : i32 to vector<128x8192xi32>
    %select_n3A_213 = arith.select %eq3A_210, %iota3A, %broadcast_in_dim3A_212 : vector<128x8192xi1>, vector<128x8192xi32>
    %reduce_min3A_214 = arith.constant dense<2147483647> : vector<128xi32>
    %reduce_min3A_215 = vector.multi_reduction <minsi>, %select_n3A_213, %reduce_min3A_214 [1] : vector<128x8192xi32> to vector<128xi32>
    %broadcast_in_dim3A_216 = vector.shape_cast %reduce_min3A_215 : vector<128xi32> to vector<128x1xi32>
    %eq3A_217 = vector.broadcast %broadcast_in_dim3A_216 : vector<128x1xi32> to vector<128x8192xi32>
    %eq3A_218 = arith.cmpi eq, %iota3A, %eq3A_217 : vector<128x8192xi32>
    %jit3A_219 = arith.constant 0x7F800000 : f32
    %broadcast_in_dim3A_220 = vector.broadcast %jit3A_219 : f32 to vector<128x8192xf32>
    %select_n3A_221 = arith.select %eq3A_218, %broadcast_in_dim3A_220, %select_n3A_205 : vector<128x8192xi1>, vector<128x8192xf32>
    %reduce_min3A_222 = arith.constant dense<0x7F800000> : vector<128xf32>
    %reduce_min3A_223 = vector.multi_reduction <minimumf>, %select_n3A_221, %reduce_min3A_222 [1] : vector<128x8192xf32> to vector<128xf32>
    %broadcast_in_dim3A_224 = vector.shape_cast %reduce_min3A_223 : vector<128xf32> to vector<128x1xf32>
    %eq3A_225 = vector.broadcast %broadcast_in_dim3A_224 : vector<128x1xf32> to vector<128x8192xf32>
    %eq3A_226 = arith.cmpf oeq, %select_n3A_221, %eq3A_225 : vector<128x8192xf32>
    %jit3A_227 = arith.constant 1073741824 : i32
    %broadcast_in_dim3A_228 = vector.broadcast %jit3A_227 : i32 to vector<128x8192xi32>
    %select_n3A_229 = arith.select %eq3A_226, %iota3A, %broadcast_in_dim3A_228 : vector<128x8192xi1>, vector<128x8192xi32>
    %reduce_min3A_230 = arith.constant dense<2147483647> : vector<128xi32>
    %reduce_min3A_231 = vector.multi_reduction <minsi>, %select_n3A_229, %reduce_min3A_230 [1] : vector<128x8192xi32> to vector<128xi32>
    %broadcast_in_dim3A_232 = vector.shape_cast %reduce_min3A_231 : vector<128xi32> to vector<128x1xi32>
    %eq3A_233 = vector.broadcast %broadcast_in_dim3A_232 : vector<128x1xi32> to vector<128x8192xi32>
    %eq3A_234 = arith.cmpi eq, %iota3A, %eq3A_233 : vector<128x8192xi32>
    %jit3A_235 = arith.constant 0x7F800000 : f32
    %broadcast_in_dim3A_236 = vector.broadcast %jit3A_235 : f32 to vector<128x8192xf32>
    %select_n3A_237 = arith.select %eq3A_234, %broadcast_in_dim3A_236, %select_n3A_221 : vector<128x8192xi1>, vector<128x8192xf32>
    %reduce_min3A_238 = arith.constant dense<0x7F800000> : vector<128xf32>
    %reduce_min3A_239 = vector.multi_reduction <minimumf>, %select_n3A_237, %reduce_min3A_238 [1] : vector<128x8192xf32> to vector<128xf32>
    %broadcast_in_dim3A_240 = vector.shape_cast %reduce_min3A_239 : vector<128xf32> to vector<128x1xf32>
    %eq3A_241 = vector.broadcast %broadcast_in_dim3A_240 : vector<128x1xf32> to vector<128x8192xf32>
    %eq3A_242 = arith.cmpf oeq, %select_n3A_237, %eq3A_241 : vector<128x8192xf32>
    %jit3A_243 = arith.constant 1073741824 : i32
    %broadcast_in_dim3A_244 = vector.broadcast %jit3A_243 : i32 to vector<128x8192xi32>
    %select_n3A_245 = arith.select %eq3A_242, %iota3A, %broadcast_in_dim3A_244 : vector<128x8192xi1>, vector<128x8192xi32>
    %reduce_min3A_246 = arith.constant dense<2147483647> : vector<128xi32>
    %reduce_min3A_247 = vector.multi_reduction <minsi>, %select_n3A_245, %reduce_min3A_246 [1] : vector<128x8192xi32> to vector<128xi32>
    %broadcast_in_dim3A_248 = vector.shape_cast %reduce_min3A_247 : vector<128xi32> to vector<128x1xi32>
    %eq3A_249 = vector.broadcast %broadcast_in_dim3A_248 : vector<128x1xi32> to vector<128x8192xi32>
    %eq3A_250 = arith.cmpi eq, %iota3A, %eq3A_249 : vector<128x8192xi32>
    %jit3A_251 = arith.constant 0x7F800000 : f32
    %broadcast_in_dim3A_252 = vector.broadcast %jit3A_251 : f32 to vector<128x8192xf32>
    %select_n3A_253 = arith.select %eq3A_250, %broadcast_in_dim3A_252, %select_n3A_237 : vector<128x8192xi1>, vector<128x8192xf32>
    %reduce_min3A_254 = arith.constant dense<0x7F800000> : vector<128xf32>
    %reduce_min3A_255 = vector.multi_reduction <minimumf>, %select_n3A_253, %reduce_min3A_254 [1] : vector<128x8192xf32> to vector<128xf32>
    %broadcast_in_dim3A_256 = vector.shape_cast %reduce_min3A_255 : vector<128xf32> to vector<128x1xf32>
    %eq3A_257 = vector.broadcast %broadcast_in_dim3A_256 : vector<128x1xf32> to vector<128x8192xf32>
    %eq3A_258 = arith.cmpf oeq, %select_n3A_253, %eq3A_257 : vector<128x8192xf32>
    %jit3A_259 = arith.constant 1073741824 : i32
    %broadcast_in_dim3A_260 = vector.broadcast %jit3A_259 : i32 to vector<128x8192xi32>
    %select_n3A_261 = arith.select %eq3A_258, %iota3A, %broadcast_in_dim3A_260 : vector<128x8192xi1>, vector<128x8192xi32>
    %reduce_min3A_262 = arith.constant dense<2147483647> : vector<128xi32>
    %reduce_min3A_263 = vector.multi_reduction <minsi>, %select_n3A_261, %reduce_min3A_262 [1] : vector<128x8192xi32> to vector<128xi32>
    %broadcast_in_dim3A_264 = vector.shape_cast %reduce_min3A_263 : vector<128xi32> to vector<128x1xi32>
    %eq3A_265 = vector.broadcast %broadcast_in_dim3A_264 : vector<128x1xi32> to vector<128x8192xi32>
    %eq3A_266 = arith.cmpi eq, %iota3A, %eq3A_265 : vector<128x8192xi32>
    %jit3A_267 = arith.constant 0x7F800000 : f32
    %broadcast_in_dim3A_268 = vector.broadcast %jit3A_267 : f32 to vector<128x8192xf32>
    %select_n3A_269 = arith.select %eq3A_266, %broadcast_in_dim3A_268, %select_n3A_253 : vector<128x8192xi1>, vector<128x8192xf32>
    %reduce_min3A_270 = arith.constant dense<0x7F800000> : vector<128xf32>
    %reduce_min3A_271 = vector.multi_reduction <minimumf>, %select_n3A_269, %reduce_min3A_270 [1] : vector<128x8192xf32> to vector<128xf32>
    %broadcast_in_dim3A_272 = vector.shape_cast %reduce_min3A_271 : vector<128xf32> to vector<128x1xf32>
    %eq3A_273 = vector.broadcast %broadcast_in_dim3A_272 : vector<128x1xf32> to vector<128x8192xf32>
    %eq3A_274 = arith.cmpf oeq, %select_n3A_269, %eq3A_273 : vector<128x8192xf32>
    %jit3A_275 = arith.constant 1073741824 : i32
    %broadcast_in_dim3A_276 = vector.broadcast %jit3A_275 : i32 to vector<128x8192xi32>
    %select_n3A_277 = arith.select %eq3A_274, %iota3A, %broadcast_in_dim3A_276 : vector<128x8192xi1>, vector<128x8192xi32>
    %reduce_min3A_278 = arith.constant dense<2147483647> : vector<128xi32>
    %reduce_min3A_279 = vector.multi_reduction <minsi>, %select_n3A_277, %reduce_min3A_278 [1] : vector<128x8192xi32> to vector<128xi32>
    %stack3A = vector.shape_cast %reduce_min3A_39 : vector<128xi32> to vector<128x1xi32>
    %stack3A_280 = vector.shape_cast %reduce_min3A_55 : vector<128xi32> to vector<128x1xi32>
    %stack3A_281 = vector.shape_cast %reduce_min3A_71 : vector<128xi32> to vector<128x1xi32>
    %stack3A_282 = vector.shape_cast %reduce_min3A_87 : vector<128xi32> to vector<128x1xi32>
    %stack3A_283 = vector.shape_cast %reduce_min3A_103 : vector<128xi32> to vector<128x1xi32>
    %stack3A_284 = vector.shape_cast %reduce_min3A_119 : vector<128xi32> to vector<128x1xi32>
    %stack3A_285 = vector.shape_cast %reduce_min3A_135 : vector<128xi32> to vector<128x1xi32>
    %stack3A_286 = vector.shape_cast %reduce_min3A_151 : vector<128xi32> to vector<128x1xi32>
    %stack3A_287 = vector.shape_cast %reduce_min3A_167 : vector<128xi32> to vector<128x1xi32>
    %stack3A_288 = vector.shape_cast %reduce_min3A_183 : vector<128xi32> to vector<128x1xi32>
    %stack3A_289 = vector.shape_cast %reduce_min3A_199 : vector<128xi32> to vector<128x1xi32>
    %stack3A_290 = vector.shape_cast %reduce_min3A_215 : vector<128xi32> to vector<128x1xi32>
    %stack3A_291 = vector.shape_cast %reduce_min3A_231 : vector<128xi32> to vector<128x1xi32>
    %stack3A_292 = vector.shape_cast %reduce_min3A_247 : vector<128xi32> to vector<128x1xi32>
    %stack3A_293 = vector.shape_cast %reduce_min3A_263 : vector<128xi32> to vector<128x1xi32>
    %stack3A_294 = vector.shape_cast %reduce_min3A_279 : vector<128xi32> to vector<128x1xi32>
    %stack3A_295 = tpu.concatenate %stack3A, %stack3A_280, %stack3A_281, %stack3A_282, %stack3A_283, %stack3A_284, %stack3A_285, %stack3A_286, %stack3A_287, %stack3A_288, %stack3A_289, %stack3A_290, %stack3A_291, %stack3A_292, %stack3A_293, %stack3A_294 in 1 : vector<128x1xi32>, vector<128x1xi32>, vector<128x1xi32>, vector<128x1xi32>, vector<128x1xi32>, vector<128x1xi32>, vector<128x1xi32>, vector<128x1xi32>, vector<128x1xi32>, vector<128x1xi32>, vector<128x1xi32>, vector<128x1xi32>, vector<128x1xi32>, vector<128x1xi32>, vector<128x1xi32>, vector<128x1xi32> -> vector<128x16xi32>
    %mul3A_296 = arith.constant 8192 : i32
    %mul3A_297 = arith.muli %arg0, %mul3A_296 : i32
    %add3A_298 = vector.broadcast %mul3A_297 : i32 to vector<128x16xi32>
    %add3A_299 = arith.addi %stack3A_295, %add3A_298 : vector<128x16xi32>
    %broadcast_in_dim3A_300 = vector.shape_cast %add3A_299 : vector<128x16xi32> to vector<1x128x16xi32>
    %swap3A = arith.constant 0 : index
    %swap3A_301 = arith.constant 0 : index
    %swap3A_302 = arith.constant 0 : index
    %swap3A_303 = vector.load %arg3[%swap3A, %swap3A_301, %swap3A_302] : memref<1x128x16xi32, #tpu.memory_space<vmem>>, vector<1x128x16xi32>
    tpu.vector_store %arg3[%swap3A, %swap3A_301, %swap3A_302], %broadcast_in_dim3A_300 {strides = array<i32>} : memref<1x128x16xi32, #tpu.memory_space<vmem>>, vector<1x128x16xi32>,
    return
  }
  func.func @transform_0(%arg0: i32) -> (i32, i32, i32) {
    %c0_i32 = arith.constant 0 : i32
    %c0_i32_0 = arith.constant 0 : i32
    %c0_i32_1 = arith.constant 0 : i32
    return %arg0, %c0_i32, %c0_i32_0 : i32, i32, i32
  }
  func.func @transform_1(%arg0: i32) -> (i32, i32, i32) {
    %c0_i32 = arith.constant 0 : i32
    %c0_i32_0 = arith.constant 0 : i32
    %c0_i32_1 = arith.constant 0 : i32
    return %arg0, %c0_i32, %c0_i32_0 : i32, i32, i32
  }
  func.func @transform_2(%arg0: i32) -> (i32, i32, i32) {
    %c0_i32 = arith.constant 0 : i32
    %c0_i32_0 = arith.constant 0 : i32
    %c0_i32_1 = arith.constant 0 : i32
    return %arg0, %c0_i32, %c0_i32_0 : i32, i32, i32
  }
}

module attributes {stable_mosaic.version = 14 : i64} {
  func.func @body(%arg0: i32, %arg1: memref<2048x128xf32, #tpu.memory_space<vmem>>, %arg2: memref<128x256xf32, #tpu.memory_space<vmem>>, %arg3: memref<256xf32, #tpu.memory_space<vmem>>, %arg4: memref<256x512xf32, #tpu.memory_space<vmem>>, %arg5: memref<512xf32, #tpu.memory_space<vmem>>, %arg6: memref<512x768xf32, #tpu.memory_space<vmem>>, %arg7: memref<768xf32, #tpu.memory_space<vmem>>, %arg8: memref<768x768xf32, #tpu.memory_space<vmem>>, %arg9: memref<768xf32, #tpu.memory_space<vmem>>, %arg10: memref<2048x768xf32, #tpu.memory_space<vmem>>) attributes {dimension_semantics = [#tpu.dimension_semantics<arbitrary>], iteration_bounds = array<i64: 8>, scalar_prefetch = 0 : i64, scratch_operands = 0 : i64, tpu.core_type = #tpu.core_type<tc>, window_params = [{transform_indices = @transform_0, window_bounds = array<i64: 2048, 128>}, {pipeline_mode = #tpu.pipeline_mode<synchronous>, transform_indices = @transform_1, window_bounds = array<i64: 128, 256>}, {pipeline_mode = #tpu.pipeline_mode<synchronous>, transform_indices = @transform_2, window_bounds = array<i64: 256>}, {pipeline_mode = #tpu.pipeline_mode<synchronous>, transform_indices = @transform_3, window_bounds = array<i64: 256, 512>}, {pipeline_mode = #tpu.pipeline_mode<synchronous>, transform_indices = @transform_4, window_bounds = array<i64: 512>}, {pipeline_mode = #tpu.pipeline_mode<synchronous>, transform_indices = @transform_5, window_bounds = array<i64: 512, 768>}, {pipeline_mode = #tpu.pipeline_mode<synchronous>, transform_indices = @transform_6, window_bounds = array<i64: 768>}, {pipeline_mode = #tpu.pipeline_mode<synchronous>, transform_indices = @transform_7, window_bounds = array<i64: 768, 768>}, {pipeline_mode = #tpu.pipeline_mode<synchronous>, transform_indices = @transform_8, window_bounds = array<i64: 768>}, {transform_indices = @transform_9, window_bounds = array<i64: 2048, 768>}]} {
    %get3A = arith.constant 0 : index
    %get3A_0 = arith.constant 0 : index
    %get3A_1 = vector.load %arg1[%get3A, %get3A_0] : memref<2048x128xf32, #tpu.memory_space<vmem>>, vector<2048x128xf32>
    %get3A_2 = arith.constant 0 : index
    %get3A_3 = arith.constant 0 : index
    %get3A_4 = vector.load %arg2[%get3A_2, %get3A_3] : memref<128x256xf32, #tpu.memory_space<vmem>>, vector<128x256xf32>
    %dot_general3A = arith.constant dense<0.000000e+00> : vector<2048x256xf32>
    %dot_general3A_5 = tpu.matmul %get3A_1, %get3A_4, %dot_general3A {dimension_numbers = #tpu.dot_dimension_numbers<[1], [0], [0], [1], [0, 0, 1, 1], [], []>, transpose_lhs_hint = false} : vector<2048x128xf32>, vector<128x256xf32>, vector<2048x256xf32> -> vector<2048x256xf32>
    %get3A_6 = arith.constant 0 : index
    %get3A_7 = vector.load %arg3[%get3A_6] : memref<256xf32, #tpu.memory_space<vmem>>, vector<256xf32>
    %broadcast_in_dim3A = vector.shape_cast %get3A_7 : vector<256xf32> to vector<1x256xf32>
    %add3A = vector.broadcast %broadcast_in_dim3A : vector<1x256xf32> to vector<2048x256xf32>
    %add3A_8 = arith.addf %dot_general3A_5, %add3A : vector<2048x256xf32>
    %max3A = arith.constant 0.000000e+00 : f32
    %max3A_9 = vector.broadcast %max3A : f32 to vector<2048x256xf32>
    %max3A_10 = arith.maximumf %add3A_8, %max3A_9 : vector<2048x256xf32>
    %get3A_11 = arith.constant 0 : index
    %get3A_12 = arith.constant 0 : index
    %get3A_13 = vector.load %arg4[%get3A_11, %get3A_12] : memref<256x512xf32, #tpu.memory_space<vmem>>, vector<256x512xf32>
    %dot_general3A_14 = arith.constant dense<0.000000e+00> : vector<2048x512xf32>
    %dot_general3A_15 = tpu.matmul %max3A_10, %get3A_13, %dot_general3A_14 {dimension_numbers = #tpu.dot_dimension_numbers<[1], [0], [0], [1], [0, 0, 1, 1], [], []>, transpose_lhs_hint = false} : vector<2048x256xf32>, vector<256x512xf32>, vector<2048x512xf32> -> vector<2048x512xf32>
    %get3A_16 = arith.constant 0 : index
    %get3A_17 = vector.load %arg5[%get3A_16] : memref<512xf32, #tpu.memory_space<vmem>>, vector<512xf32>
    %broadcast_in_dim3A_18 = vector.shape_cast %get3A_17 : vector<512xf32> to vector<1x512xf32>
    %add3A_19 = vector.broadcast %broadcast_in_dim3A_18 : vector<1x512xf32> to vector<2048x512xf32>
    %add3A_20 = arith.addf %dot_general3A_15, %add3A_19 : vector<2048x512xf32>
    %max3A_21 = arith.constant 0.000000e+00 : f32
    %max3A_22 = vector.broadcast %max3A_21 : f32 to vector<2048x512xf32>
    %max3A_23 = arith.maximumf %add3A_20, %max3A_22 : vector<2048x512xf32>
    %get3A_24 = arith.constant 0 : index
    %get3A_25 = arith.constant 0 : index
    %get3A_26 = vector.load %arg6[%get3A_24, %get3A_25] : memref<512x768xf32, #tpu.memory_space<vmem>>, vector<512x768xf32>
    %dot_general3A_27 = arith.constant dense<0.000000e+00> : vector<2048x768xf32>
    %dot_general3A_28 = tpu.matmul %max3A_23, %get3A_26, %dot_general3A_27 {dimension_numbers = #tpu.dot_dimension_numbers<[1], [0], [0], [1], [0, 0, 1, 1], [], []>, transpose_lhs_hint = false} : vector<2048x512xf32>, vector<512x768xf32>, vector<2048x768xf32> -> vector<2048x768xf32>
    %get3A_29 = arith.constant 0 : index
    %get3A_30 = vector.load %arg7[%get3A_29] : memref<768xf32, #tpu.memory_space<vmem>>, vector<768xf32>
    %broadcast_in_dim3A_31 = vector.shape_cast %get3A_30 : vector<768xf32> to vector<1x768xf32>
    %add3A_32 = vector.broadcast %broadcast_in_dim3A_31 : vector<1x768xf32> to vector<2048x768xf32>
    %add3A_33 = arith.addf %dot_general3A_28, %add3A_32 : vector<2048x768xf32>
    %max3A_34 = arith.constant 0.000000e+00 : f32
    %max3A_35 = vector.broadcast %max3A_34 : f32 to vector<2048x768xf32>
    %max3A_36 = arith.maximumf %add3A_33, %max3A_35 : vector<2048x768xf32>
    %get3A_37 = arith.constant 0 : index
    %get3A_38 = arith.constant 0 : index
    %get3A_39 = vector.load %arg8[%get3A_37, %get3A_38] : memref<768x768xf32, #tpu.memory_space<vmem>>, vector<768x768xf32>
    %dot_general3A_40 = arith.constant dense<0.000000e+00> : vector<2048x768xf32>
    %dot_general3A_41 = tpu.matmul %max3A_36, %get3A_39, %dot_general3A_40 {dimension_numbers = #tpu.dot_dimension_numbers<[1], [0], [0], [1], [0, 0, 1, 1], [], []>, transpose_lhs_hint = false} : vector<2048x768xf32>, vector<768x768xf32>, vector<2048x768xf32> -> vector<2048x768xf32>
    %get3A_42 = arith.constant 0 : index
    %get3A_43 = vector.load %arg9[%get3A_42] : memref<768xf32, #tpu.memory_space<vmem>>, vector<768xf32>
    %broadcast_in_dim3A_44 = vector.shape_cast %get3A_43 : vector<768xf32> to vector<1x768xf32>
    %add3A_45 = vector.broadcast %broadcast_in_dim3A_44 : vector<1x768xf32> to vector<2048x768xf32>
    %add3A_46 = arith.addf %dot_general3A_41, %add3A_45 : vector<2048x768xf32>
    %swap3A = arith.constant 0 : index
    %swap3A_47 = arith.constant 0 : index
    %swap3A_48 = vector.load %arg10[%swap3A, %swap3A_47] : memref<2048x768xf32, #tpu.memory_space<vmem>>, vector<2048x768xf32>
    tpu.vector_store %arg10[%swap3A, %swap3A_47], %add3A_46 {strides = array<i32>} : memref<2048x768xf32, #tpu.memory_space<vmem>>, vector<2048x768xf32>,
    return
  }
  func.func @transform_0(%arg0: i32) -> (i32, i32) {
    %c0_i32 = arith.constant 0 : i32
    %c0_i32_0 = arith.constant 0 : i32
    return %arg0, %c0_i32 : i32, i32
  }
  func.func @transform_1(%arg0: i32) -> (i32, i32) {
    %c0_i32 = arith.constant 0 : i32
    %c0_i32_0 = arith.constant 0 : i32
    %c0_i32_1 = arith.constant 0 : i32
    return %c0_i32, %c0_i32_0 : i32, i32
  }
  func.func @transform_2(%arg0: i32) -> i32 {
    %c0_i32 = arith.constant 0 : i32
    %c0_i32_0 = arith.constant 0 : i32
    return %c0_i32 : i32
  }
  func.func @transform_3(%arg0: i32) -> (i32, i32) {
    %c0_i32 = arith.constant 0 : i32
    %c0_i32_0 = arith.constant 0 : i32
    %c0_i32_1 = arith.constant 0 : i32
    return %c0_i32, %c0_i32_0 : i32, i32
  }
  func.func @transform_4(%arg0: i32) -> i32 {
    %c0_i32 = arith.constant 0 : i32
    %c0_i32_0 = arith.constant 0 : i32
    return %c0_i32 : i32
  }
  func.func @transform_5(%arg0: i32) -> (i32, i32) {
    %c0_i32 = arith.constant 0 : i32
    %c0_i32_0 = arith.constant 0 : i32
    %c0_i32_1 = arith.constant 0 : i32
    return %c0_i32, %c0_i32_0 : i32, i32
  }
  func.func @transform_6(%arg0: i32) -> i32 {
    %c0_i32 = arith.constant 0 : i32
    %c0_i32_0 = arith.constant 0 : i32
    return %c0_i32 : i32
  }
  func.func @transform_7(%arg0: i32) -> (i32, i32) {
    %c0_i32 = arith.constant 0 : i32
    %c0_i32_0 = arith.constant 0 : i32
    %c0_i32_1 = arith.constant 0 : i32
    return %c0_i32, %c0_i32_0 : i32, i32
  }
  func.func @transform_8(%arg0: i32) -> i32 {
    %c0_i32 = arith.constant 0 : i32
    %c0_i32_0 = arith.constant 0 : i32
    return %c0_i32 : i32
  }
  func.func @transform_9(%arg0: i32) -> (i32, i32) {
    %c0_i32 = arith.constant 0 : i32
    %c0_i32_0 = arith.constant 0 : i32
    return %arg0, %c0_i32 : i32, i32
  }
}

module attributes {stable_mosaic.version = 14 : i64} {
  func.func @body(%arg0: i32, %arg1: memref<128x16x768xf32, #tpu.memory_space<vmem>>, %arg2: memref<768x768xf32, #tpu.memory_space<vmem>>, %arg3: memref<768xf32, #tpu.memory_space<vmem>>, %arg4: memref<768x768xf32, #tpu.memory_space<vmem>>, %arg5: memref<768xf32, #tpu.memory_space<vmem>>, %arg6: memref<128x768xf32, #tpu.memory_space<vmem>>) attributes {dimension_semantics = [#tpu.dimension_semantics<arbitrary>], iteration_bounds = array<i64: 8>, scalar_prefetch = 0 : i64, scratch_operands = 0 : i64, tpu.core_type = #tpu.core_type<tc>, window_params = [{transform_indices = @transform_0, window_bounds = array<i64: 128, 16, 768>}, {pipeline_mode = #tpu.pipeline_mode<synchronous>, transform_indices = @transform_1, window_bounds = array<i64: 768, 768>}, {pipeline_mode = #tpu.pipeline_mode<synchronous>, transform_indices = @transform_2, window_bounds = array<i64: 768>}, {pipeline_mode = #tpu.pipeline_mode<synchronous>, transform_indices = @transform_3, window_bounds = array<i64: 768, 768>}, {pipeline_mode = #tpu.pipeline_mode<synchronous>, transform_indices = @transform_4, window_bounds = array<i64: 768>}, {transform_indices = @transform_5, window_bounds = array<i64: 128, 768>}]} {
    %get3A = arith.constant 0 : index
    %get3A_0 = arith.constant 0 : index
    %get3A_1 = arith.constant 0 : index
    %get3A_2 = vector.load %arg1[%get3A, %get3A_0, %get3A_1] : memref<128x16x768xf32, #tpu.memory_space<vmem>>, vector<128x16x768xf32>
    %reduce_max3A = arith.constant dense<0xFF800000> : vector<128x768xf32>
    %reduce_max3A_3 = vector.multi_reduction <maximumf>, %get3A_2, %reduce_max3A [1] : vector<128x16x768xf32> to vector<128x768xf32>
    %get3A_4 = arith.constant 0 : index
    %get3A_5 = arith.constant 0 : index
    %get3A_6 = vector.load %arg2[%get3A_4, %get3A_5] : memref<768x768xf32, #tpu.memory_space<vmem>>, vector<768x768xf32>
    %dot_general3A = arith.constant dense<0.000000e+00> : vector<128x768xf32>
    %dot_general3A_7 = tpu.matmul %reduce_max3A_3, %get3A_6, %dot_general3A {dimension_numbers = #tpu.dot_dimension_numbers<[1], [0], [0], [1], [0, 0, 1, 1], [], []>, transpose_lhs_hint = false} : vector<128x768xf32>, vector<768x768xf32>, vector<128x768xf32> -> vector<128x768xf32>
    %get3A_8 = arith.constant 0 : index
    %get3A_9 = vector.load %arg3[%get3A_8] : memref<768xf32, #tpu.memory_space<vmem>>, vector<768xf32>
    %broadcast_in_dim3A = vector.shape_cast %get3A_9 : vector<768xf32> to vector<1x768xf32>
    %add3A = vector.broadcast %broadcast_in_dim3A : vector<1x768xf32> to vector<128x768xf32>
    %add3A_10 = arith.addf %dot_general3A_7, %add3A : vector<128x768xf32>
    %max3A = arith.constant 0.000000e+00 : f32
    %max3A_11 = vector.broadcast %max3A : f32 to vector<128x768xf32>
    %max3A_12 = arith.maximumf %add3A_10, %max3A_11 : vector<128x768xf32>
    %get3A_13 = arith.constant 0 : index
    %get3A_14 = arith.constant 0 : index
    %get3A_15 = vector.load %arg4[%get3A_13, %get3A_14] : memref<768x768xf32, #tpu.memory_space<vmem>>, vector<768x768xf32>
    %dot_general3A_16 = arith.constant dense<0.000000e+00> : vector<128x768xf32>
    %dot_general3A_17 = tpu.matmul %max3A_12, %get3A_15, %dot_general3A_16 {dimension_numbers = #tpu.dot_dimension_numbers<[1], [0], [0], [1], [0, 0, 1, 1], [], []>, transpose_lhs_hint = false} : vector<128x768xf32>, vector<768x768xf32>, vector<128x768xf32> -> vector<128x768xf32>
    %get3A_18 = arith.constant 0 : index
    %get3A_19 = vector.load %arg5[%get3A_18] : memref<768xf32, #tpu.memory_space<vmem>>, vector<768xf32>
    %broadcast_in_dim3A_20 = vector.shape_cast %get3A_19 : vector<768xf32> to vector<1x768xf32>
    %add3A_21 = vector.broadcast %broadcast_in_dim3A_20 : vector<1x768xf32> to vector<128x768xf32>
    %add3A_22 = arith.addf %dot_general3A_17, %add3A_21 : vector<128x768xf32>
    %swap3A = arith.constant 0 : index
    %swap3A_23 = arith.constant 0 : index
    %swap3A_24 = vector.load %arg6[%swap3A, %swap3A_23] : memref<128x768xf32, #tpu.memory_space<vmem>>, vector<128x768xf32>
    tpu.vector_store %arg6[%swap3A, %swap3A_23], %add3A_22 {strides = array<i32>} : memref<128x768xf32, #tpu.memory_space<vmem>>, vector<128x768xf32>,
    return
  }
  func.func @transform_0(%arg0: i32) -> (i32, i32, i32) {
    %c0_i32 = arith.constant 0 : i32
    %c0_i32_0 = arith.constant 0 : i32
    %c0_i32_1 = arith.constant 0 : i32
    return %arg0, %c0_i32, %c0_i32_0 : i32, i32, i32
  }
  func.func @transform_1(%arg0: i32) -> (i32, i32) {
    %c0_i32 = arith.constant 0 : i32
    %c0_i32_0 = arith.constant 0 : i32
    %c0_i32_1 = arith.constant 0 : i32
    return %c0_i32, %c0_i32_0 : i32, i32
  }
  func.func @transform_2(%arg0: i32) -> i32 {
    %c0_i32 = arith.constant 0 : i32
    %c0_i32_0 = arith.constant 0 : i32
    return %c0_i32 : i32
  }
  func.func @transform_3(%arg0: i32) -> (i32, i32) {
    %c0_i32 = arith.constant 0 : i32
    %c0_i32_0 = arith.constant 0 : i32
    %c0_i32_1 = arith.constant 0 : i32
    return %c0_i32, %c0_i32_0 : i32, i32
  }
  func.func @transform_4(%arg0: i32) -> i32 {
    %c0_i32 = arith.constant 0 : i32
    %c0_i32_0 = arith.constant 0 : i32
    return %c0_i32 : i32
  }
  func.func @transform_5(%arg0: i32) -> (i32, i32) {
    %c0_i32 = arith.constant 0 : i32
    %c0_i32_0 = arith.constant 0 : i32
    return %arg0, %c0_i32 : i32, i32
  }
}

</mosaic_0001>

<sc_bundles>
// kernel: kernel.10.cloned.1.call-start
scs
__scs_entry_jumppad:
0x0: {  	(pc) =	sbr.rel $0x88, $3  }
0x1: {  	(tag) =	ssettag $0x0;
	lr =	simm.s32 $0x1  }
0x2: {  	[smem:$0x3F93] =	sst lr;
	_ =	strace $0xD0000000  }
0x3: {  	_ = 	snop  }
0x4: {  	_ = 	snop  }
0x5: {  	_ = 	snop  }
0x6: {  	_ = 	snop  }
0x7: {  	_ = 	snop  }
__scs_overlays_trampoline_lowered:
0x8: {  	[smem:$0x3FA2] =	sst s0  }
0x9: {  	[smem:$0x3FA3] =	sst s1  }
0xa: {  	[smem:$0x3FA4] =	sst s2  }
0xb: {  	[smem:$0x3FA5] =	sst s3  }
0xc: {  	[smem:$0x3FA6] =	sst s4  }
0xd: {  	[smem:$0x3FA7] =	sst s5  }
0xe: {  	[smem:$0x3FA8] =	sst s6  }
0xf: {  	[smem:$0x3FA9] =	sst s7  }
0x10: {  	[smem:$0x3FAA] =	sst s8  }
0x11: {  	[smem:$0x3FAB] =	sst s9;
	s0 =	simm.s32 @!p0 $0x0  }
0x12: {  	s1 =	sld [smem:$0x3F91];
	s0 =	simm.s32 @p0 $0x1  }
0x13: {  	[smem:$0x3FAC] =	sst s0;
	s0 =	simm.s32 @!p1 $0x0  }
0x14: {  	s2 =	sld [smem:$0x3F90];
	s0 =	simm.s32 @p1 $0x1  }
0x15: {  	[smem:$0x3FAD] =	sst s0;
	s0 =	simm.s32 @!p2 $0x0  }
0x16: {  	s3 =	sld [smem:$0x3FDB];
	s0 =	simm.s32 @p2 $0x1  }
0x17: {  	s4 =	simm.s32 $0x1BF5;
	[smem:$0x3FAF] =	sst s0  }
0x18: {  	s0 =	sld [smem:$0x3F92];
	_ =	swait.ge [sflag:s4], $0x0  }
0x19: {  	s7 =	sld [smem:$0x3F93]  }
0x1a: {  	s8 =	sadd.s32 $0xFFFFE003, lr  }
0x1b: {  	s9 =	sadd.s32 $0xFFFFFEF7, lr;
	s5 =	simm.s32 $0xFFFFFFFF;
	p2 =	slt.u32 s8, $0xFFFFF086  }
0x1c: {  	p1 =	slt.u32 s9, $0xF7A;
	s5 =	simm.s32 @!p2 $0x0  }
0x1d: {  	s5 =	simm.s32 @p1 $0x1;
	p0 =	seq.s32 s7, s2  }
0x1e: {  	s7 =	smul.u32 @!p0 $0xF7A, s2;
	p2 =	seq.s32 @!p0 s5, $0x0  }
0x1f: {  	s9 =	smul.u32 $0xF7A, s1;
	s8 =	simm.s32 @!p0 $0x1BF5;
	p2 =	por !p2, p0  }
0x20: {  	[sflag:s8] =	ssyncset.s32 @!p0 $0xFFFFF086;
	s6 =	sadd.s32 @!p0 s3, s7;
	s7 =	simm.s32 @!p0 $0x108  }
0x21: {  	s3 =	sadd.s32 s3, s9;
	s6 =	sadd.s32 @!p0 $0x88, s6;
	s7 =	simm.s32 @p2 $0x1082  }
0x22: {  	[simem:s7], [sflag:s8] =	dma.local @!p0 [hbm:s6], $0xF7A  }
0x23: {  	s9 =	sor.u32 $0xD0000000, s2;
	s6 =	simm.s32 $0x108;
	_ =	swait.ge @!p0 [sflag:s8], $0x0  }
0x24: {  	s3 =	sadd.s32 $0x88, s3;
	s6 =	simm.s32 @!p1 $0x1082;
	[sflag:s4] =	ssyncset.s32 $0xFFFFF086  }
0x25: {  	[simem:s6], [sflag:s4] =	dma.local [hbm:s3], $0xF7A  }
0x26: {  	[smem:$0x3F93] =	sst s1;
	(tag) =	ssettag s2;
	_ =	strace s9  }
0x27: {  	s1 =	sld [smem:$0x3FA3]  }
0x28: {  	s2 =	sld [smem:$0x3FA4]  }
0x29: {  	s4 =	sld [smem:$0x3FA6]  }
0x2a: {  	p0 =	seq.s32 s5, $0x0;
	s5 =	sld [smem:$0x3FA7]  }
0x2b: {  	s6 =	sld [smem:$0x3FA8]  }
0x2c: {  	s7 =	sld [smem:$0x3FA9]  }
0x2d: {  	s3 =	simm.s32 $0x108;
	s8 =	sld [smem:$0x3FAA]  }
0x2e: {  	s3 =	simm.s32 @!p0 $0x1082;
	s9 =	sld [smem:$0x3FAB]  }
0x2f: {  	lr =	sadd.s32 s0, s3;
	s0 =	sld [smem:$0x3FA2]  }
0x30: {  	s3 =	sld [smem:$0x3FA5]  }
0x31: {  	[smem:$0x3FAE] =	sst s10  }
0x32: {  	s10 =	sld [smem:$0x3FAC];
	_ =	sdelay $0x3  }
0x33: {  	p0 =	seq.s32 s10, $0x1;
	s10 =	sld [smem:$0x3FAE];
	_ =	sdelay $0x3  }
0x34: {  	[smem:$0x3FAE] =	sst s10  }
0x35: {  	s10 =	sld [smem:$0x3FAD];
	_ =	sdelay $0x3  }
0x36: {  	p1 =	seq.s32 s10, $0x1;
	s10 =	sld [smem:$0x3FAE];
	_ =	sdelay $0x3  }
0x37: {  	[smem:$0x3FAE] =	sst s10  }
0x38: {  	s10 =	sld [smem:$0x3FAF]  }
0x39: {  	_ = 	snop;
	(pc) =	sbr.ind lr, $3  }
0x3a: {  	_ = 	snop  }
0x3b: {  	_ = 	snop  }
0x3c: {  	p2 =	seq.s32 s10, $0x1;
	s10 =	sld [smem:$0x3FAE]  }
0x3d: {  	_ =	shalt  }
0x3e: {  	_ =	shalt  }
0x3f: {  	_ =	shalt  }
0x40: {  	_ =	shalt  }
0x41: {  	_ =	shalt  }
0x42: {  	_ =	shalt  }
0x43: {  	_ =	shalt  }
0x44: {  	_ =	shalt  }
0x45: {  	_ =	shalt  }
0x46: {  	_ =	shalt  }
0x47: {  	_ =	shalt  }
0x48: {  	_ =	shalt  }
0x49: {  	_ =	shalt  }
0x4a: {  	_ =	shalt  }
0x4b: {  	_ =	shalt  }
0x4c: {  	_ =	shalt  }
0x4d: {  	_ =	shalt  }
0x4e: {  	_ =	shalt  }
0x4f: {  	_ =	shalt  }
0x50: {  	_ =	shalt  }
0x51: {  	_ =	shalt  }
0x52: {  	_ =	shalt  }
0x53: {  	_ =	shalt  }
0x54: {  	_ =	shalt  }
0x55: {  	_ =	shalt  }
0x56: {  	_ =	shalt  }
0x57: {  	_ =	shalt  }
0x58: {  	_ =	shalt  }
0x59: {  	_ =	shalt  }
0x5a: {  	_ =	shalt  }
0x5b: {  	_ =	shalt  }
0x5c: {  	_ =	shalt  }
0x5d: {  	_ =	shalt  }
0x5e: {  	_ =	shalt  }
0x5f: {  	_ =	shalt  }
0x60: {  	_ =	shalt  }
0x61: {  	_ =	shalt  }
0x62: {  	_ =	shalt  }
0x63: {  	_ =	shalt  }
0x64: {  	_ =	shalt  }
0x65: {  	_ =	shalt  }
0x66: {  	_ =	shalt  }
0x67: {  	_ =	shalt  }
0x68: {  	_ =	shalt  }
0x69: {  	_ =	shalt  }
0x6a: {  	_ =	shalt  }
0x6b: {  	_ =	shalt  }
0x6c: {  	_ =	shalt  }
0x6d: {  	_ =	shalt  }
0x6e: {  	_ =	shalt  }
0x6f: {  	_ =	shalt  }
0x70: {  	_ =	shalt  }
0x71: {  	_ =	shalt  }
0x72: {  	_ =	shalt  }
0x73: {  	_ =	shalt  }
0x74: {  	_ =	shalt  }
0x75: {  	_ =	shalt  }
0x76: {  	_ =	shalt  }
0x77: {  	_ =	shalt  }
0x78: {  	_ =	shalt  }
0x79: {  	_ =	shalt  }
0x7a: {  	_ =	shalt  }
0x7b: {  	_ =	shalt  }
0x7c: {  	_ =	shalt  }
0x7d: {  	_ =	shalt  }
0x7e: {  	_ =	shalt  }
0x7f: {  	_ =	shalt  }
0x80: {  	_ =	shalt  }
0x81: {  	_ =	shalt  }
0x82: {  	_ =	shalt  }
0x83: {  	_ =	shalt  }
0x84: {  	_ =	shalt  }
0x85: {  	_ =	shalt  }
0x86: {  	_ =	shalt  }
0x87: {  	_ =	shalt  }
.Lfunc_end0:
.L_simem_size_0:
called_computation.1_lowered:
.L_overlay_start_0:
0x88: {  	s2 =	sld [smem:$0x3FD9]  }
0x89: {  	s3 =	sld [smem:$0x3FFE];
	_ =	sdelay $0x1  }
0x8a: {  	s1 =	srdreg.scid  }
0x8b: {  	s0 =	sand.u32 $0x1, s1  }
0x8c: {  	s14 =	sshll.u32 s0, $0xA;
	s2 =	sadd.s32 s3, s2  }
0x8d: {  	s2 =	sadd.s32 s2, s14  }
0x8e: {  	[smem:$0x3FBA] =	sst s2  }
0x8f: {  	_ = 	snop  }
0x90: {  	s2 =	sld [smem:$0x3FD0];
	_ =	sdelay $0x2  }
0x91: {  	s15 =	simm.s32 $0xA;
	s4 =	simm.s32 $0x10  }
0x92: {  	[smem:s4], [sflag:s15] =	dma.local [hbm:s2], $0x1  }
0x93: {  	_ =	swait.eq [sflag:s15], $0x1  }
0x94: {  	[sflag:s15] =	ssyncset.done $0x0  }
0x95: {  	[sflag:s15] =	ssyncadd.s32 $0xFFFFFFFF  }
0x96: {  	s16 =	sld [smem:$0x10];
	(tm) =	ssettm $0x1  }
0x97: {  	s17 =	sld [smem:$0x3FFB];
	_ =	sdelay $0x3  }
0x98: {  	_ =	strace s17  }
0x99: {  	s3 =	sld [smem:$0x3FFC];
	_ =	sdelay $0x3  }
0x9a: {  	_ =	strace s3  }
0x9b: {  	s3 =	sld [smem:$0x3FFD];
	_ =	sdelay $0x3  }
0x9c: {  	_ =	strace s3  }
0x9d: {  	_ =	strace $0x8FFFFFFF  }
0x9e: {  	s18 =	sld [smem:$0x3FDB];
	_ =	sdelay $0x1  }
0x9f: {  	s19 =	simm.s32 $_scs_section_size  }
0xa0: {  	s5 =	simm.s32 $_size__tile_overlayer_lowered;
	s6 =	simm.s32 $_tile_overlayer_lowered  }
0xa1: {  	s22 =	simm.s32 $0x1BFF;
	s21 =	sshll.u32 s6, $0x1;
	s3 =	sadd.s32 s19, s18  }
0xa2: {  	s7 =	simm.s32 $0x0;
	s20 =	sshll.u32 s5, $0x1;
	s5 =	sadd.s32 s21, s3  }
0xa3: {  	[timem:s7], [sflag:s22] =	dma.local [hbm:s5], s20  }
0xa4: {  	_ =	swait.ge [sflag:s22], s20  }
0xa5: {  	s4 =	ssub.s32 $0x0, s20;
	[sflag:s22] =	ssyncset.done $0x0  }
0xa6: {  	[sflag:s22] =	ssyncadd.s32 s4;
	_ =	sdelay $0x1  }
0xa7: {  	s23 =	simm.s32 $0x1B8B  }
0xa8: {  	_ =	swait.ge [sflag:s23], $0x1  }
0xa9: {  	[sflag:s23] =	ssyncset.done $0x0  }
0xaa: {  	s25 =	simm.s32 $0x1B8E;
	s24 =	sld [smem:$0x3FFE];
	[sflag:s23] =	ssyncadd.s32 $0xFFFFFFFF  }
0xab: {  	s26 =	simm.s32 $execute0_lowered;
	[smem:$0x3FD2] =	sst s25  }
0xac: {  	s5 =	sshll.u32 s26, $0x1;
	_ =	strace $0x80000049;
	[dreg:$0x1] =	wrdreg $0xFFFFFFFF  }
0xad: {  	s28 =	simm.s32 $_size_execute0_lowered;
	s3 =	sadd.s32 s3, s5;
	[dreg:$0x0] =	wrdreg $0x0  }
0xae: {  	s5 =	sshll.u32 s28, $0x1;
	[dreg:$0x2] =	wrdreg s3  }
0xaf: {  	[dreg:$0x3] =	wrdreg s5  }
0xb0: {  	[dreg:$0x4] =	wrdreg $0xC0  }
0xb1: {  	_ =	task [dreg:s7], $0x5FFFF  }
0xb2: {  	[dreg:$0x1] =	wrdreg $0xFFFFFFFF  }
0xb3: {  	[dreg:$0x0] =	wrdreg $0x60  }
0xb4: {  	[dreg:$0x2] =	wrdreg s24  }
0xb5: {  	[dreg:$0x3] =	wrdreg s16  }
0xb6: {  	[dreg:$0x4] =	wrdreg $0x9  }
0xb7: {  	_ =	task.clear_ibuf [dreg:s7], $0x5FFFF;
	_ =	strace $0x90000049  }
0xb8: {  	s29 =	simm.s32 $0x9;
	_ =	strace $0x8000004B  }
0xb9: {  	_ =	swait.ge [sflag:s29], $0x1  }
0xba: {  	[sflag:s29] =	ssyncadd.s32 $0xFFFFFFFF  }
0xbb: {  	_ =	strace $0x9000004B  }
0xbc: {  	_ =	sfence  }
0xbd: {  	s30 =	sld [smem:$0x0];
	_ =	sdelay $0x2  }
0xbe: {  	s31 =	sshll.u32 s1, $0xD;
	s1 =	sshrl.u32 s1, $0x2  }
0xbf: {  	s3 =	sand.u32 $0x4000, s31;
	s1 =	sadd.s32 s1, s30  }
0xc0: {  	s0 =	sor.u32 s3, s0;
	s1 =	sshll.u32 s1, $0x11  }
0xc1: {  	s0 =	sor.u32 s1, s0  }
0xc2: {  	s0 =	sadd.s32 $0x8F2B, s0  }
0xc3: {  	[sflag:s0] =	ssyncadd.remote.s32 $0x1  }
0xc4: {  	_ =	sfence.sel $0xFFFF  }
0xc5: {  	[dreg:$0x0] =	wrdreg $0xFFFFFFFF;
	(pc) =	sbr.abs _section_cstart, $3  }
0xc6: {  	[dreg:$0x1] =	wrdreg $0xFFFFFFFF  }
0xc7: {  	_ =	task.clear_ibuf [dreg:s7], $0x2FFFF;
	_ =	strace $0x9FFFFFFF  }
0xc8: {  	(tm) =	ssettm $0x7FFFFFFF  }
0xc9: {  	_ =	shalt  }
tec
execute0_lowered:
.L_overlay_start_1:
0x0: {  	(tag) =	ssettag $0x1  }
0x1: {  	s1 =	srdreg.scid  }
0x2: {  	s8 =	rddreg [dreg:$0x0];
	s0 =	stileid.u32  }
0x3: {  	s3 =	rddreg [dreg:$0x1];
	s2 =	simm.s32 $0x0;
	s6 =	sand.u32 $0x1, s1  }
0x4: {  	s4 =	sshll.u32 s0, $0xA;
	s1 =	rddreg [dreg:$0x2];
	s5 =	sshll.u32 s6, $0x9  }
0x5: {  	s7 =	simm.s32 $0x1;
	[smem:$0x7FF] =	sst s2;
	s9 =	sor.u32 s5, s4  }
0x6: {  	_ =	strace $0x8000004A;
	s10 =	ssub.s32 $0x2, s6;
	s4 =	sshrl.u32 s9, $0x3  }
0x7: {  	s6 =	simm.s32 $0x200;
	s4 =	sadd.s32 s3, s4;
	s3 =	simm.s32 $0x2  }
0x8: {  	[tilespmem:s2], [sflag:$0x2] =	stream.linear.gather [hbm4b:s4+s2], $0x200, $0x38;
	[tilespmem:$0x10200] =	vst v63  }
0x9: {  	s5 =	sadd.s32 $0x108A00, s8;
	s11 =	sshrl.u32 s10, $0x1;
	_ =	swait.ge [sflag:s3], $0x200  }
0xa: {  	s9 =	sshll.u32 s9, $0x4;
	s31 =	ssub.s32 s10, s11;
	[sflag:s3] =	ssyncset.done $0x0  }
0xb: {  	s8 =	sadd.s32 s9, s8;
	s9 =	smax.u32 s31, $0x1;
	[sflag:s3] =	ssyncadd.s32 $0xFFFFFE00  }
0xc: {  	[tilespmem:s6], [sflag:$0x1] =	stream.indirect.gather [hbm4b:s5+s6], $0x80, s2, s6, $0xb8;
	[tilespmem:$0x10200] =	vst v63  }
0xd: {  	p0 =	sne.s32 s9, $0x1;
	_ =	swait.ge [sflag:s7], $0x10000  }
.Ltmp0:
0xe: {  	[sflag:s7] =	ssyncset.done $0x0;
	(pc) =	sbr.rel @!p0 .LBB2_2-.Ltmp0, $4  }
0xf: {  	s8 =	sadd.s32 $0x2A00, s8;
	[sflag:s7] =	ssyncadd.s32 $0xFFFF0000  }
0x10: {  	[hbm4b:s8+s2] =	stream.linear.scatter [tilespmem:s6], [sflag:$0x2], $0x10000, $0x38;
	[tilespmem:$0x10200] =	vst v63  }
0x11: {  	_ =	swait.ge [sflag:s3], $0x10000  }
0x12: {  	s9 =	sadd.s32 $0xFFFFFFFF, s9;
	[sflag:s3] =	ssyncset.done $0x0  }
.LBB2_1:
0x13: {  	p0 =	sne.s32 s9, $0x1;
	s9 =	sadd.s32 $0xFFFFFFFF, s9;
	[sflag:s3] =	ssyncadd.s32 $0xFFFF0000  }
0x14: {  	[tilespmem:s2], [sflag:$0x2] =	stream.linear.gather [hbm4b:s4+s2], $0x200, $0x38;
	[tilespmem:$0x10200] =	vst v63  }
0x15: {  	_ =	swait.ge [sflag:s3], $0x200  }
0x16: {  	[sflag:s3] =	ssyncset.done $0x0  }
0x17: {  	[sflag:s3] =	ssyncadd.s32 $0xFFFFFE00  }
0x18: {  	[tilespmem:s6], [sflag:$0x1] =	stream.indirect.gather [hbm4b:s5+s6], $0x80, s2, s6, $0xb8;
	[tilespmem:$0x10200] =	vst v63  }
0x19: {  	_ =	swait.ge [sflag:s7], $0x10000  }
.Ltmp1:
0x1a: {  	[sflag:s7] =	ssyncset.done $0x0;
	(pc) =	sbr.rel @p0 .LBB2_1-.Ltmp1, $4  }
0x1b: {  	[sflag:s7] =	ssyncadd.s32 $0xFFFF0000  }
0x1c: {  	[hbm4b:s8+s2] =	stream.linear.scatter [tilespmem:s6], [sflag:$0x2], $0x10000, $0x38;
	[tilespmem:$0x10200] =	vst v63  }
0x1d: {  	_ =	swait.ge [sflag:s3], $0x10000  }
0x1e: {  	[sflag:s3] =	ssyncset.done $0x0  }
.LBB2_2:
0x1f: {  	[sflag:s3] =	ssyncadd.s32 $0xFFFF0000  }
0x20: {  	_ =	sfence.sel $0x180000  }
0x21: {  	[bflag:$0x0] =	sbarrier.arrive $0xFFFF  }
0x22: {  	p0 =	sne.s32 s0, $0x0;
	_ =	strace $0x9000004A  }
0x23: {  	s0 =	sadd.s32 @!p0 $0x100000, s1;
	[bflag:$0x2] =	sbarrier.arrive $0xFFFF  }
0x24: {  	[sflag:s0] =	ssyncadd.tile.s32 @!p0 $0x1;
	_ =	shalt  }
.Lfunc_end2:
_tile_overlayer_lowered:
.L_overlay_start_2:
0x25: {  	(tag) =	ssettag $0x2  }
0x26: {  	s0 =	rddreg [dreg:$0x0];
	s2 =	stileid.u32  }
0x27: {  	s1 =	rddreg [dreg:$0x1];
	p0 =	sne.s32 s2, $0x0  }
0x28: {  	s3 =	rddreg [dreg:$0x2];
	[bflag:$0x3] =	sbarrier.arrive $0xFFFF;
	s2 =	simm.s32 @!p0 $0x1C02  }
0x29: {  	[timem:s3], [sflag:s2] =	dma.local @!p0 [hbm:s0], s1  }
0x2a: {  	s0 =	simm.s32 @!p0 $0x2  }
0x2b: {  	_ =	swait.ge @!p0 [sflag:s0], s1  }
0x2c: {  	s1 =	ssub.s32 @!p0 $0x0, s1;
	[sflag:s0] =	ssyncset.done @!p0 $0x0  }
0x2d: {  	[sflag:s0] =	ssyncadd.s32 @!p0 s1  }
0x2e: {  	[bflag:$0x3] =	sbarrier.arrive $0xFFFF  }
0x2f: {  	_ =	shalt  }

// kernel: kernel.7.cloned.1.call-start
scs
__scs_entry_jumppad:
0x0: {  	(pc) =	sbr.rel $0x88, $3  }
0x1: {  	(tag) =	ssettag $0x0;
	lr =	simm.s32 $0x1  }
0x2: {  	[smem:$0x3F93] =	sst lr;
	_ =	strace $0xD0000000  }
0x3: {  	_ = 	snop  }
0x4: {  	_ = 	snop  }
0x5: {  	_ = 	snop  }
0x6: {  	_ = 	snop  }
0x7: {  	_ = 	snop  }
__scs_overlays_trampoline_lowered:
0x8: {  	[smem:$0x3FA2] =	sst s0  }
0x9: {  	[smem:$0x3FA3] =	sst s1  }
0xa: {  	[smem:$0x3FA4] =	sst s2  }
0xb: {  	[smem:$0x3FA5] =	sst s3  }
0xc: {  	[smem:$0x3FA6] =	sst s4  }
0xd: {  	[smem:$0x3FA7] =	sst s5  }
0xe: {  	[smem:$0x3FA8] =	sst s6  }
0xf: {  	[smem:$0x3FA9] =	sst s7  }
0x10: {  	[smem:$0x3FAA] =	sst s8  }
0x11: {  	[smem:$0x3FAB] =	sst s9;
	s0 =	simm.s32 @!p0 $0x0  }
0x12: {  	s1 =	sld [smem:$0x3F91];
	s0 =	simm.s32 @p0 $0x1  }
0x13: {  	[smem:$0x3FAC] =	sst s0;
	s0 =	simm.s32 @!p1 $0x0  }
0x14: {  	s2 =	sld [smem:$0x3F90];
	s0 =	simm.s32 @p1 $0x1  }
0x15: {  	[smem:$0x3FAD] =	sst s0;
	s0 =	simm.s32 @!p2 $0x0  }
0x16: {  	s3 =	sld [smem:$0x3FDB];
	s0 =	simm.s32 @p2 $0x1  }
0x17: {  	s4 =	simm.s32 $0x1BF5;
	[smem:$0x3FAF] =	sst s0  }
0x18: {  	s0 =	sld [smem:$0x3F92];
	_ =	swait.ge [sflag:s4], $0x0  }
0x19: {  	s7 =	sld [smem:$0x3F93]  }
0x1a: {  	s8 =	sadd.s32 $0xFFFFE003, lr  }
0x1b: {  	s9 =	sadd.s32 $0xFFFFFEF7, lr;
	s5 =	simm.s32 $0xFFFFFFFF;
	p2 =	slt.u32 s8, $0xFFFFF086  }
0x1c: {  	p1 =	slt.u32 s9, $0xF7A;
	s5 =	simm.s32 @!p2 $0x0  }
0x1d: {  	s5 =	simm.s32 @p1 $0x1;
	p0 =	seq.s32 s7, s2  }
0x1e: {  	s7 =	smul.u32 @!p0 $0xF7A, s2;
	p2 =	seq.s32 @!p0 s5, $0x0  }
0x1f: {  	s9 =	smul.u32 $0xF7A, s1;
	s8 =	simm.s32 @!p0 $0x1BF5;
	p2 =	por !p2, p0  }
0x20: {  	[sflag:s8] =	ssyncset.s32 @!p0 $0xFFFFF086;
	s6 =	sadd.s32 @!p0 s3, s7;
	s7 =	simm.s32 @!p0 $0x108  }
0x21: {  	s3 =	sadd.s32 s3, s9;
	s6 =	sadd.s32 @!p0 $0x88, s6;
	s7 =	simm.s32 @p2 $0x1082  }
0x22: {  	[simem:s7], [sflag:s8] =	dma.local @!p0 [hbm:s6], $0xF7A  }
0x23: {  	s9 =	sor.u32 $0xD0000000, s2;
	s6 =	simm.s32 $0x108;
	_ =	swait.ge @!p0 [sflag:s8], $0x0  }
0x24: {  	s3 =	sadd.s32 $0x88, s3;
	s6 =	simm.s32 @!p1 $0x1082;
	[sflag:s4] =	ssyncset.s32 $0xFFFFF086  }
0x25: {  	[simem:s6], [sflag:s4] =	dma.local [hbm:s3], $0xF7A  }
0x26: {  	[smem:$0x3F93] =	sst s1;
	(tag) =	ssettag s2;
	_ =	strace s9  }
0x27: {  	s1 =	sld [smem:$0x3FA3]  }
0x28: {  	s2 =	sld [smem:$0x3FA4]  }
0x29: {  	s4 =	sld [smem:$0x3FA6]  }
0x2a: {  	p0 =	seq.s32 s5, $0x0;
	s5 =	sld [smem:$0x3FA7]  }
0x2b: {  	s6 =	sld [smem:$0x3FA8]  }
0x2c: {  	s7 =	sld [smem:$0x3FA9]  }
0x2d: {  	s3 =	simm.s32 $0x108;
	s8 =	sld [smem:$0x3FAA]  }
0x2e: {  	s3 =	simm.s32 @!p0 $0x1082;
	s9 =	sld [smem:$0x3FAB]  }
0x2f: {  	lr =	sadd.s32 s0, s3;
	s0 =	sld [smem:$0x3FA2]  }
0x30: {  	s3 =	sld [smem:$0x3FA5]  }
0x31: {  	[smem:$0x3FAE] =	sst s10  }
0x32: {  	s10 =	sld [smem:$0x3FAC];
	_ =	sdelay $0x3  }
0x33: {  	p0 =	seq.s32 s10, $0x1;
	s10 =	sld [smem:$0x3FAE];
	_ =	sdelay $0x3  }
0x34: {  	[smem:$0x3FAE] =	sst s10  }
0x35: {  	s10 =	sld [smem:$0x3FAD];
	_ =	sdelay $0x3  }
0x36: {  	p1 =	seq.s32 s10, $0x1;
	s10 =	sld [smem:$0x3FAE];
	_ =	sdelay $0x3  }
0x37: {  	[smem:$0x3FAE] =	sst s10  }
0x38: {  	s10 =	sld [smem:$0x3FAF]  }
0x39: {  	_ = 	snop;
	(pc) =	sbr.ind lr, $3  }
0x3a: {  	_ = 	snop  }
0x3b: {  	_ = 	snop  }
0x3c: {  	p2 =	seq.s32 s10, $0x1;
	s10 =	sld [smem:$0x3FAE]  }
0x3d: {  	_ =	shalt  }
0x3e: {  	_ =	shalt  }
0x3f: {  	_ =	shalt  }
0x40: {  	_ =	shalt  }
0x41: {  	_ =	shalt  }
0x42: {  	_ =	shalt  }
0x43: {  	_ =	shalt  }
0x44: {  	_ =	shalt  }
0x45: {  	_ =	shalt  }
0x46: {  	_ =	shalt  }
0x47: {  	_ =	shalt  }
0x48: {  	_ =	shalt  }
0x49: {  	_ =	shalt  }
0x4a: {  	_ =	shalt  }
0x4b: {  	_ =	shalt  }
0x4c: {  	_ =	shalt  }
0x4d: {  	_ =	shalt  }
0x4e: {  	_ =	shalt  }
0x4f: {  	_ =	shalt  }
0x50: {  	_ =	shalt  }
0x51: {  	_ =	shalt  }
0x52: {  	_ =	shalt  }
0x53: {  	_ =	shalt  }
0x54: {  	_ =	shalt  }
0x55: {  	_ =	shalt  }
0x56: {  	_ =	shalt  }
0x57: {  	_ =	shalt  }
0x58: {  	_ =	shalt  }
0x59: {  	_ =	shalt  }
0x5a: {  	_ =	shalt  }
0x5b: {  	_ =	shalt  }
0x5c: {  	_ =	shalt  }
0x5d: {  	_ =	shalt  }
0x5e: {  	_ =	shalt  }
0x5f: {  	_ =	shalt  }
0x60: {  	_ =	shalt  }
0x61: {  	_ =	shalt  }
0x62: {  	_ =	shalt  }
0x63: {  	_ =	shalt  }
0x64: {  	_ =	shalt  }
0x65: {  	_ =	shalt  }
0x66: {  	_ =	shalt  }
0x67: {  	_ =	shalt  }
0x68: {  	_ =	shalt  }
0x69: {  	_ =	shalt  }
0x6a: {  	_ =	shalt  }
0x6b: {  	_ =	shalt  }
0x6c: {  	_ =	shalt  }
0x6d: {  	_ =	shalt  }
0x6e: {  	_ =	shalt  }
0x6f: {  	_ =	shalt  }
0x70: {  	_ =	shalt  }
0x71: {  	_ =	shalt  }
0x72: {  	_ =	shalt  }
0x73: {  	_ =	shalt  }
0x74: {  	_ =	shalt  }
0x75: {  	_ =	shalt  }
0x76: {  	_ =	shalt  }
0x77: {  	_ =	shalt  }
0x78: {  	_ =	shalt  }
0x79: {  	_ =	shalt  }
0x7a: {  	_ =	shalt  }
0x7b: {  	_ =	shalt  }
0x7c: {  	_ =	shalt  }
0x7d: {  	_ =	shalt  }
0x7e: {  	_ =	shalt  }
0x7f: {  	_ =	shalt  }
0x80: {  	_ =	shalt  }
0x81: {  	_ =	shalt  }
0x82: {  	_ =	shalt  }
0x83: {  	_ =	shalt  }
0x84: {  	_ =	shalt  }
0x85: {  	_ =	shalt  }
0x86: {  	_ =	shalt  }
0x87: {  	_ =	shalt  }
.Lfunc_end0:
.L_simem_size_0:
called_computation_lowered:
.L_overlay_start_0:
0x88: {  	s2 =	sld [smem:$0x3FD9]  }
0x89: {  	s3 =	sld [smem:$0x3FFE];
	_ =	sdelay $0x1  }
0x8a: {  	s1 =	srdreg.scid  }
0x8b: {  	s0 =	sand.u32 $0x1, s1  }
0x8c: {  	s14 =	sshll.u32 s0, $0xA;
	s2 =	sadd.s32 s3, s2  }
0x8d: {  	s2 =	sadd.s32 s2, s14  }
0x8e: {  	[smem:$0x3FBA] =	sst s2  }
0x8f: {  	_ = 	snop  }
0x90: {  	s2 =	sld [smem:$0x3FD0];
	_ =	sdelay $0x2  }
0x91: {  	s15 =	simm.s32 $0xA;
	s4 =	simm.s32 $0x10  }
0x92: {  	[smem:s4], [sflag:s15] =	dma.local [hbm:s2], $0x1  }
0x93: {  	_ =	swait.eq [sflag:s15], $0x1  }
0x94: {  	[sflag:s15] =	ssyncset.done $0x0  }
0x95: {  	s16 =	sld [smem:$0x10];
	[sflag:s15] =	ssyncadd.s32 $0xFFFFFFFF  }
0x96: {  	s17 =	sld [smem:$0x11];
	(tm) =	ssettm $0x1  }
0x97: {  	s18 =	sld [smem:$0x3FFB];
	_ =	sdelay $0x3  }
0x98: {  	_ =	strace s18  }
0x99: {  	s4 =	sld [smem:$0x3FFC];
	_ =	sdelay $0x3  }
0x9a: {  	_ =	strace s4  }
0x9b: {  	s4 =	sld [smem:$0x3FFD];
	_ =	sdelay $0x3  }
0x9c: {  	_ =	strace s4  }
0x9d: {  	_ =	strace $0x8FFFFFFF  }
0x9e: {  	s19 =	sld [smem:$0x3FDB];
	_ =	sdelay $0x1  }
0x9f: {  	s5 =	simm.s32 $_scs_section_size  }
0xa0: {  	s6 =	simm.s32 $_size__tile_overlayer_lowered;
	s7 =	simm.s32 $_tile_overlayer_lowered  }
0xa1: {  	s22 =	simm.s32 $0x1BFF;
	s21 =	sshll.u32 s7, $0x1;
	s4 =	sadd.s32 s5, s19  }
0xa2: {  	s8 =	simm.s32 $0x0;
	s20 =	sshll.u32 s6, $0x1;
	s6 =	sadd.s32 s21, s4  }
0xa3: {  	[timem:s8], [sflag:s22] =	dma.local [hbm:s6], s20  }
0xa4: {  	_ =	swait.ge [sflag:s22], s20  }
0xa5: {  	s5 =	ssub.s32 $0x0, s20;
	[sflag:s22] =	ssyncset.done $0x0  }
0xa6: {  	[sflag:s22] =	ssyncadd.s32 s5;
	_ =	sdelay $0x1  }
0xa7: {  	s23 =	simm.s32 $0x1B8B  }
0xa8: {  	_ =	swait.ge [sflag:s23], $0x1  }
0xa9: {  	[sflag:s23] =	ssyncset.done $0x0  }
0xaa: {  	s25 =	simm.s32 $0x1B8E;
	s24 =	sld [smem:$0x3FFE];
	[sflag:s23] =	ssyncadd.s32 $0xFFFFFFFF  }
0xab: {  	s26 =	simm.s32 $execute0_lowered;
	[smem:$0x3FD2] =	sst s25  }
0xac: {  	s6 =	sshll.u32 s26, $0x1;
	_ =	strace $0x80000046;
	[dreg:$0x1] =	wrdreg $0xFFFFFFFF  }
0xad: {  	s28 =	simm.s32 $_size_execute0_lowered;
	s4 =	sadd.s32 s4, s6;
	[dreg:$0x0] =	wrdreg $0x0  }
0xae: {  	s6 =	sshll.u32 s28, $0x1;
	[dreg:$0x2] =	wrdreg s4  }
0xaf: {  	[dreg:$0x3] =	wrdreg s6  }
0xb0: {  	[dreg:$0x4] =	wrdreg $0xC0  }
0xb1: {  	_ =	task [dreg:s8], $0x5FFFF  }
0xb2: {  	[dreg:$0x1] =	wrdreg $0xFFFFFFFF  }
0xb3: {  	[dreg:$0x0] =	wrdreg $0x60  }
0xb4: {  	[dreg:$0x2] =	wrdreg s24  }
0xb5: {  	[dreg:$0x3] =	wrdreg s16  }
0xb6: {  	[dreg:$0x4] =	wrdreg s17  }
0xb7: {  	[dreg:$0x5] =	wrdreg $0x9  }
0xb8: {  	_ =	task.clear_ibuf [dreg:s8], $0x6FFFF;
	_ =	strace $0x90000046  }
0xb9: {  	s29 =	simm.s32 $0x9;
	_ =	strace $0x80000048  }
0xba: {  	_ =	swait.ge [sflag:s29], $0x1  }
0xbb: {  	[sflag:s29] =	ssyncadd.s32 $0xFFFFFFFF  }
0xbc: {  	_ =	strace $0x90000048  }
0xbd: {  	_ =	sfence  }
0xbe: {  	s30 =	sld [smem:$0x0];
	_ =	sdelay $0x2  }
0xbf: {  	s31 =	sshll.u32 s1, $0xD;
	s1 =	sshrl.u32 s1, $0x2  }
0xc0: {  	s3 =	sand.u32 $0x4000, s31;
	s1 =	sadd.s32 s1, s30  }
0xc1: {  	s0 =	sor.u32 s3, s0;
	s1 =	sshll.u32 s1, $0x11  }
0xc2: {  	s0 =	sor.u32 s1, s0  }
0xc3: {  	s0 =	sadd.s32 $0x8F2B, s0  }
0xc4: {  	[sflag:s0] =	ssyncadd.remote.s32 $0x1  }
0xc5: {  	_ =	sfence.sel $0xFFFF  }
0xc6: {  	[dreg:$0x0] =	wrdreg $0xFFFFFFFF;
	(pc) =	sbr.abs _section_cstart, $3  }
0xc7: {  	[dreg:$0x1] =	wrdreg $0xFFFFFFFF  }
0xc8: {  	_ =	task.clear_ibuf [dreg:s8], $0x2FFFF;
	_ =	strace $0x9FFFFFFF  }
0xc9: {  	(tm) =	ssettm $0x7FFFFFFF  }
tec
execute0_lowered:
.L_overlay_start_1:
0x0: {  	(tag) =	ssettag $0x1  }
0x1: {  	s0 =	stileid.u32  }
0x2: {  	p0 =	sgt.u32 s0, $0x3  }
.Ltmp0:
0x3: {  	_ = 	snop;
	(pc) =	sbr.rel @p0 .LBB2_9-.Ltmp0, $4  }
0x4: {  	s3 =	rddreg [dreg:$0x0]  }
0x5: {  	s4 =	rddreg [dreg:$0x1];
	s2 =	simm.s32 $0x0  }
0x6: {  	[smem:$0x7FF] =	sst s2  }
0x7: {  	s6 =	rddreg [dreg:$0x2];
	_ =	strace $0x80000047  }
0x8: {  	s5 =	srdreg.scid;
	s0 =	stileid.u32;
	s9 =	sadd.s32 $0x2A00, s3  }
0x9: {  	s11 =	simm.s32 $0x1;
	s12 =	simm.s32 $0x2000;
	s13 =	simm.s32 $0x4000  }
0xa: {  	s14 =	simm.s32 $0x6000;
	s15 =	simm.s32 $0xA200;
	s5 =	sand.u32 $0x1, s5  }
0xb: {  	s16 =	simm.s32 $0xA000;
	s7 =	sshll.u32 s0, $0x5;
	s8 =	sshll.u32 s5, $0x4  }
0xc: {  	v0 =	vimm.f32 $+Inf;
	s17 =	simm.s32 $0x0;
	s29 =	ssub.s32 $0x2, s5;
	s7 =	sor.u32 s8, s7  }
0xd: {  	v1 =	vimm.s32 $0x10;
	v2 =	vimm.s32 $0x180;
	vm1 =	vcmask $0x300;
	s10 =	sshrl.u32 s29, $0x1;
	s30 =	sadd.s32 s7, s3;
	s31 =	sadd.s32 s4, s7  }
0xe: {  	vm0 =	vcmask $0x3F0C;
	vm2 =	vcmask $0x704;
	v2 =	vsel vm1, $0x0, v2;
	s8 =	ssub.s32 s29, s10;
	s6 =	sadd.s32 s6, s7;
	s7 =	sadd.s32 s9, s7  }
0xf: {  	vm3 =	vcmask $0xB08;
	v3 =	vlaneseq.u32;
	v2 =	vsel vm2, $0x80, v2;
	s9 =	simm.s32 $0x80;
	s10 =	simm.s32 $0x400;
	[dreg:$0x4] =	wrdreg s31  }
0x10: {  	vm1 =	vcmask $0x3F08;
	vm2 =	vmmov $0x1;
	v2 =	vsel vm3, $0x100, v2;
	s4 =	sadd.s32 $0x6A00, s30;
	s5 =	sadd.s32 $0x4A00, s30;
	s8 =	smax.u32 s8, $0x1  }
.LBB2_2:
0x11: {  	[tilespmem:s2], [sflag:$0x1] =	stream.strided.gather [hbm4b:s7+s9], $0x2000, s10, s9, $0x38;
	[tilespmem:$0xA280] =	vst v63  }
0x12: {  	_ =	swait.ge [sflag:s11], $0x2000  }
0x13: {  	[sflag:s11] =	ssyncset.done $0x0  }
0x14: {  	s0 =	rddreg [dreg:$0x4];
	[sflag:s11] =	ssyncadd.s32 $0xFFFFE000  }
0x15: {  	[tilespmem:s12], [sflag:$0x1] =	stream.strided.gather [hbm4b:s0+s9], $0x2000, s10, s9, $0x38;
	[tilespmem:$0xA280] =	vst v63  }
0x16: {  	_ =	swait.ge [sflag:s11], $0x2000  }
0x17: {  	[sflag:s11] =	ssyncset.done $0x0  }
0x18: {  	[sflag:s11] =	ssyncadd.s32 $0xFFFFE000  }
0x19: {  	[tilespmem:s13], [sflag:$0x1] =	stream.strided.gather [hbm4b:s4+s9], $0x2000, s10, s9, $0x38;
	[tilespmem:$0xA280] =	vst v63  }
0x1a: {  	_ =	swait.ge [sflag:s11], $0x2000  }
0x1b: {  	[sflag:s11] =	ssyncset.done $0x0  }
0x1c: {  	[sflag:s11] =	ssyncadd.s32 $0xFFFFE000  }
0x1d: {  	[tilespmem:s14], [sflag:$0x1] =	stream.strided.gather [hbm4b:s5+s9], $0x2000, s10, s9, $0x38;
	[tilespmem:$0xA280] =	vst v63  }
0x1e: {  	_ =	swait.ge [sflag:s11], $0x2000  }
0x1f: {  	[sflag:s11] =	ssyncset.done $0x0  }
0x20: {  	s18 =	simm.s32 $0x8020;
	[sflag:s11] =	ssyncadd.s32 $0xFFFFE000  }
0x21: {  	[tilespmem:s18+$0xFFFFFFE0] =	vst v0  }
0x22: {  	[tilespmem:s18+$0x10] =	vst v0  }
0x23: {  	s19 =	simm.s32 $0x0;
	[tilespmem:s18+$0x0] =	vst v0  }
.LBB2_3:
0x24: {  	s19 =	sadd.s32 $0x4, s19  }
0x25: {  	[tilespmem:s18+$0xFFFFFFF0] =	vst v0;
	s18 =	sadd.s32 $0x40, s18;
	p0 =	slt.u32 s19, $0x1FC  }
.Ltmp1:
0x26: {  	[tilespmem:s18+$0xFFFFFFE0] =	vst v0;
	(pc) =	sbr.rel @p0 .LBB2_3-.Ltmp1, $3  }
0x27: {  	_ =	sdelay $0x1  }
0x28: {  	[tilespmem:s18+$0x10] =	vst v0  }
0x29: {  	[tilespmem:s18+$0x0] =	vst v0  }
0x2a: {  	[tilespmem:s18+$0xFFFFFFF0] =	vst v0  }
0x2b: {  	v4 =	vld [tilespmem:$0x0];
	_ =	sdelay $0x3  }
0x2c: {  	v5 =	vld [tilespmem:$0x2000]  }
0x2d: {  	[tilespmem:$0xA210] =	vst v4;
	v4 =	vld [tilespmem:$0x4000]  }
0x2e: {  	v8 =	vld [tilespmem:$0x6000];
	_ =	sdelay $0x2  }
0x2f: {  	v6 =	vld.idx.msk [tilespmem:v1+s15+$0x0], $0xffff;
	[tilespmem:$0xA210] =	vst v5  }
0x30: {  	v7 =	vld.idx.msk [tilespmem:v1+s15+$0x0], $0xffff;
	[tilespmem:$0xA210] =	vst v4  }
0x31: {  	v5 =	vld.idx.msk [tilespmem:v1+s15+$0x0], $0xffff;
	[tilespmem:$0xA210] =	vst v8  }
0x32: {  	v4 =	vld.idx.msk [tilespmem:v1+s15+$0x0], $0xffff;
	_ =	sdelay $0x4  }
0x33: {  	v8 =	vsel vm0, v4, v5  }
0x34: {  	v8 =	vsel vm1, v8, v7  }
0x35: {  	v8 =	vsel vm2, v6, v8  }
0x36: {  	s18 =	simm.s32 $0x1;
	[tilespmem:v2+s16+$0x0] =	vst.idx.msk $0xf, v8  }
.LBB2_5:
0x37: {  	s22 =	simm.s32 $0x2020  }
0x38: {  	s21 =	simm.s32 $0x20;
	v8 =	vld [tilespmem:s22+$0xFFFFFFE0]  }
0x39: {  	v9 =	vld [tilespmem:s21+$0xFFFFFFE0]  }
0x3a: {  	s26 =	simm.s32 $0x4020  }
0x3b: {  	v10 =	vld [tilespmem:s26+$0xFFFFFFE0]  }
0x3c: {  	s20 =	simm.s32 $0x6020  }
0x3d: {  	v11 =	vld [tilespmem:s20+$0xFFFFFFE0]  }
0x3e: {  	v8 =	vsub.f32 v8, v7;
	v9 =	vsub.f32 v9, v6;
	_ =	sdelay $0x1  }
0x3f: {  	v10 =	vsub.f32 v10, v5;
	v8 =	vmul.f32 v8, v8;
	v9 =	vmul.f32 v9, v9;
	_ =	sdelay $0x1  }
0x40: {  	s19 =	simm.s32 $0x8020;
	v11 =	vsub.f32 v11, v4;
	v8 =	vadd.f32 v8, v9;
	v9 =	vmul.f32 v10, v10  }
0x41: {  	v10 =	vld [tilespmem:s19+$0xFFFFFFE0]  }
0x42: {  	v8 =	vadd.f32 v9, v8;
	v9 =	vmul.f32 v11, v11;
	_ =	sdelay $0x1  }
0x43: {  	v8 =	vadd.f32 v9, v8;
	_ =	sdelay $0x1  }
0x44: {  	v8 =	vmin.f32 v10, v8  }
0x45: {  	[tilespmem:s19+$0xFFFFFFE0] =	vst v8  }
0x46: {  	v9 =	vld [tilespmem:s21+$0xFFFFFFF0]  }
0x47: {  	v10 =	vld [tilespmem:s22+$0xFFFFFFF0];
	_ =	sdelay $0x1  }
0x48: {  	v11 =	vld [tilespmem:s26+$0xFFFFFFF0];
	_ =	sdelay $0x1  }
0x49: {  	v12 =	vld [tilespmem:s20+$0xFFFFFFF0]  }
0x4a: {  	v9 =	vsub.f32 v9, v6;
	v10 =	vsub.f32 v10, v7;
	_ =	sdelay $0x1  }
0x4b: {  	v11 =	vsub.f32 v11, v5;
	v9 =	vmul.f32 v9, v9;
	v10 =	vmul.f32 v10, v10;
	_ =	sdelay $0x1  }
0x4c: {  	v12 =	vsub.f32 v12, v4;
	v9 =	vadd.f32 v10, v9;
	v10 =	vmul.f32 v11, v11  }
0x4d: {  	v11 =	vld [tilespmem:s19+$0xFFFFFFF0]  }
0x4e: {  	v9 =	vadd.f32 v10, v9;
	v10 =	vmul.f32 v12, v12;
	_ =	sdelay $0x1  }
0x4f: {  	v9 =	vadd.f32 v10, v9;
	_ =	sdelay $0x1  }
0x50: {  	v10 =	vmin.f32 v11, v9  }
0x51: {  	[tilespmem:s19+$0xFFFFFFF0] =	vst v10  }
0x52: {  	v9 =	vld [tilespmem:s21+$0x0]  }
0x53: {  	v11 =	vld [tilespmem:s22+$0x0];
	_ =	sdelay $0x1  }
0x54: {  	v12 =	vld [tilespmem:s26+$0x0];
	_ =	sdelay $0x1  }
0x55: {  	v13 =	vld [tilespmem:s20+$0x0]  }
0x56: {  	v9 =	vsub.f32 v9, v6;
	v11 =	vsub.f32 v11, v7;
	_ =	sdelay $0x1  }
0x57: {  	v12 =	vsub.f32 v12, v5;
	v9 =	vmul.f32 v9, v9;
	v11 =	vmul.f32 v11, v11;
	_ =	sdelay $0x1  }
0x58: {  	v13 =	vsub.f32 v13, v4;
	v9 =	vadd.f32 v11, v9;
	v11 =	vmul.f32 v12, v12  }
0x59: {  	v12 =	vld [tilespmem:s19+$0x0]  }
0x5a: {  	v9 =	vadd.f32 v11, v9;
	v11 =	vmul.f32 v13, v13;
	_ =	sdelay $0x1  }
0x5b: {  	v9 =	vadd.f32 v11, v9;
	_ =	sdelay $0x1  }
0x5c: {  	v11 =	vimm.f32 $-1.000000000e+00;
	v9 =	vmin.f32 v12, v9  }
0x5d: {  	vm3 =	vgt.f32 v8, v11;
	[tilespmem:s19+$0x0] =	vst v9  }
0x5e: {  	v8 =	vsel vm3, v8, v11;
	v11 =	vld [tilespmem:s21+$0x10]  }
0x5f: {  	s24 =	simm.s32 $0x0;
	v12 =	vld [tilespmem:s22+$0x10]  }
0x60: {  	s25 =	simm.s32 $0x0;
	s23 =	simm.s32 $0x10;
	s28 =	simm.s32 $0x4060;
	vm4 =	vgt.f32 v10, v8;
	v13 =	vld [tilespmem:s26+$0x10]  }
0x61: {  	s29 =	simm.s32 $0x8060;
	s30 =	simm.s32 $0x60;
	s31 =	simm.s32 $0x2060;
	v10 =	vsel vm4, v10, v8;
	v14 =	vld [tilespmem:s20+$0x10]  }
0x62: {  	s21 =	simm.s32 $0x20;
	s22 =	simm.s32 $0x30;
	v8 =	vimm.s32 $0x0;
	s26 =	simm.s32 $0x0;
	vm5 =	vgt.f32 v9, v10  }
.LBB2_6:
0x63: {  	s25 =	sadd.s32 $0x4, s25;
	s24 =	sadd.s32 $0x40, s24;
	s20 =	sadd.s32 $0x40, s20  }
0x64: {  	v11 =	vsub.f32 v11, v6;
	s0 =	sadd.s32 $0x10, s24;
	s1 =	sadd.s32 $0x20, s24;
	p0 =	slt.u32 s25, $0x1FC;
	v12 =	vsub.f32 v12, v7  }
0x65: {  	s3 =	sadd.s32 $0x30, s24;
	v13 =	vsub.f32 v13, v5  }
0x66: {  	v11 =	vmul.f32 v11, v11;
	v14 =	vsub.f32 v14, v4;
	v12 =	vmul.f32 v12, v12  }
0x67: {  	v13 =	vmul.f32 v13, v13  }
0x68: {  	v11 =	vadd.f32 v12, v11;
	v12 =	vld [tilespmem:s19+$0x10]  }
0x69: {  	v14 =	vmul.f32 v14, v14  }
0x6a: {  	v11 =	vadd.f32 v13, v11  }
0x6b: {  	v13 =	vor.u32 s26, v3;
	s26 =	smov.u32 s24  }
0x6c: {  	v8 =	vsel vm3, v13, v8;
	v13 =	vor.u32 s23, v3;
	s23 =	smov.u32 s0;
	v11 =	vadd.f32 v14, v11  }
0x6d: {  	v9 =	vsel vm5, v9, v10;
	v10 =	vor.u32 s21, v3;
	s21 =	smov.u32 s1;
	v8 =	vsel vm4, v13, v8  }
0x6e: {  	v8 =	vsel vm5, v10, v8;
	v10 =	vmin.f32 v12, v11;
	v11 =	vor.u32 s22, v3;
	s22 =	smov.u32 s3  }
0x6f: {  	[tilespmem:s19+$0x10] =	vst v10;
	vm3 =	vgt.f32 v10, v9;
	s19 =	smov.u32 s29  }
0x70: {  	v12 =	vld [tilespmem:s31+$0xFFFFFFE0];
	v9 =	vsel vm3, v10, v9;
	v8 =	vsel vm3, v11, v8  }
0x71: {  	v10 =	vld [tilespmem:s30+$0xFFFFFFE0]  }
0x72: {  	v11 =	vld [tilespmem:s28+$0xFFFFFFE0];
	_ =	sdelay $0x2  }
0x73: {  	v12 =	vsub.f32 v12, v7;
	v13 =	vld [tilespmem:s20+$0xFFFFFFE0]  }
0x74: {  	v10 =	vsub.f32 v10, v6  }
0x75: {  	v11 =	vsub.f32 v11, v5;
	v12 =	vmul.f32 v12, v12  }
0x76: {  	v10 =	vmul.f32 v10, v10;
	_ =	sdelay $0x1  }
0x77: {  	v11 =	vmul.f32 v11, v11;
	v13 =	vsub.f32 v13, v4;
	v10 =	vadd.f32 v12, v10  }
0x78: {  	v12 =	vld [tilespmem:s29+$0xFFFFFFE0]  }
0x79: {  	v10 =	vadd.f32 v11, v10;
	v11 =	vmul.f32 v13, v13;
	_ =	sdelay $0x1  }
0x7a: {  	v10 =	vadd.f32 v11, v10;
	_ =	sdelay $0x1  }
0x7b: {  	v10 =	vmin.f32 v12, v10  }
0x7c: {  	[tilespmem:s29+$0xFFFFFFE0] =	vst v10;
	vm3 =	vgt.f32 v10, v9  }
0x7d: {  	v11 =	vld [tilespmem:s30+$0xFFFFFFF0]  }
0x7e: {  	v12 =	vld [tilespmem:s31+$0xFFFFFFF0]  }
0x7f: {  	v13 =	vld [tilespmem:s28+$0xFFFFFFF0];
	_ =	sdelay $0x2  }
0x80: {  	v11 =	vsub.f32 v11, v6;
	v14 =	vld [tilespmem:s20+$0xFFFFFFF0]  }
0x81: {  	v12 =	vsub.f32 v12, v7;
	_ =	sdelay $0x1  }
0x82: {  	v13 =	vsub.f32 v13, v5;
	v11 =	vmul.f32 v11, v11;
	v12 =	vmul.f32 v12, v12;
	_ =	sdelay $0x1  }
0x83: {  	v14 =	vsub.f32 v14, v4;
	v11 =	vadd.f32 v12, v11;
	v12 =	vmul.f32 v13, v13  }
0x84: {  	v13 =	vld [tilespmem:s29+$0xFFFFFFF0]  }
0x85: {  	v11 =	vadd.f32 v12, v11;
	v12 =	vmul.f32 v14, v14;
	_ =	sdelay $0x1  }
0x86: {  	v11 =	vadd.f32 v12, v11;
	_ =	sdelay $0x1  }
0x87: {  	v11 =	vmin.f32 v13, v11  }
0x88: {  	[tilespmem:s29+$0xFFFFFFF0] =	vst v11  }
0x89: {  	v12 =	vld [tilespmem:s30+$0x0]  }
0x8a: {  	v13 =	vld [tilespmem:s31+$0x0];
	_ =	sdelay $0x1  }
0x8b: {  	v14 =	vld [tilespmem:s28+$0x0];
	_ =	sdelay $0x1  }
0x8c: {  	v12 =	vsub.f32 v12, v6;
	v15 =	vld [tilespmem:s20+$0x0]  }
0x8d: {  	v13 =	vsub.f32 v13, v7  }
0x8e: {  	v12 =	vmul.f32 v12, v12  }
0x8f: {  	v14 =	vsub.f32 v14, v5;
	v13 =	vmul.f32 v13, v13;
	_ =	sdelay $0x1  }
0x90: {  	v15 =	vsub.f32 v15, v4;
	v12 =	vadd.f32 v13, v12;
	v13 =	vmul.f32 v14, v14  }
0x91: {  	v14 =	vld [tilespmem:s29+$0x0]  }
0x92: {  	v12 =	vadd.f32 v13, v12;
	v13 =	vmul.f32 v15, v15;
	_ =	sdelay $0x1  }
0x93: {  	v9 =	vsel vm3, v10, v9;
	v12 =	vadd.f32 v13, v12  }
0x94: {  	vm4 =	vgt.f32 v11, v9  }
0x95: {  	v10 =	vsel vm4, v11, v9;
	v9 =	vmin.f32 v14, v12  }
0x96: {  	[tilespmem:s29+$0x0] =	vst v9;
	vm5 =	vgt.f32 v9, v10  }
.Ltmp2:
0x97: {  	v11 =	vld [tilespmem:s30+$0x10];
	(pc) =	sbr.rel @p0 .LBB2_6-.Ltmp2, $4  }
0x98: {  	v12 =	vld [tilespmem:s31+$0x10]  }
0x99: {  	v13 =	vld [tilespmem:s28+$0x10]  }
0x9a: {  	s28 =	sadd.s32 $0x40, s28;
	v14 =	vld [tilespmem:s20+$0x10]  }
0x9b: {  	s29 =	sadd.s32 $0x40, s29;
	s30 =	sadd.s32 $0x40, s30;
	s31 =	sadd.s32 $0x40, s31  }
0x9c: {  	_ = 	snop  }
0x9d: {  	v6 =	vsub.f32 v11, v6;
	v7 =	vsub.f32 v12, v7;
	_ =	sdelay $0x1  }
0x9e: {  	v5 =	vsub.f32 v13, v5;
	v6 =	vmul.f32 v6, v6;
	v7 =	vmul.f32 v7, v7;
	_ =	sdelay $0x1  }
0x9f: {  	v4 =	vsub.f32 v14, v4;
	v5 =	vmul.f32 v5, v5;
	v6 =	vadd.f32 v7, v6  }
0xa0: {  	v7 =	vld [tilespmem:s19+$0x10]  }
0xa1: {  	v4 =	vmul.f32 v4, v4;
	v5 =	vadd.f32 v5, v6  }
0xa2: {  	v6 =	vor.u32 s26, v3  }
0xa3: {  	v6 =	vsel vm3, v6, v8;
	v8 =	vor.u32 s23, v3;
	v4 =	vadd.f32 v4, v5  }
0xa4: {  	v5 =	vsel vm4, v8, v6  }
0xa5: {  	v6 =	vsel vm5, v9, v10;
	v8 =	vor.u32 s21, v3;
	v4 =	vmin.f32 v7, v4  }
0xa6: {  	v5 =	vsel vm5, v8, v5;
	v7 =	vor.u32 s22, v3;
	vm3 =	vgt.f32 v4, v6  }
0xa7: {  	v6 =	vsel vm3, v4, v6;
	v5 =	vsel vm3, v7, v5  }
0xa8: {  	(xrf1) =	vsort.dscd.msk.f32 $0xffff, v6, v5;
	_ =	sdelay $0xd  }
0xa9: {  	[tilespmem:s19+$0x10] =	vst v4;
	v4, _, _ =	vpop (xrf1)  }
0xaa: {  	[tilespmem:$0xA210] =	vst v4  }
0xab: {  	v4 =	vld.idx.msk [tilespmem:v1+s15+$0x0], $0xffff;
	_ =	sdelay $0x4  }
0xac: {  	vm3 =	veq.f32 v6, v4  }
0xad: {  	v4 =	vnsel vm3, $0x40000000, v5  }
0xae: {  	v5 =	vxor.u32 $0x80000000, v4  }
0xaf: {  	(xrf1) =	vsort.ascd.msk.u32 $0xffff, v5, v4;
	_ =	sdelay $0xd  }
0xb0: {  	v4, _, _ =	vpop (xrf1)  }
0xb1: {  	v4 =	vxor.u32 $0x80000000, v4  }
0xb2: {  	[tilespmem:$0xA210] =	vst v4  }
0xb3: {  	v6 =	vld.idx.msk [tilespmem:v1+s15+$0x0], $0xffff;
	_ =	sdelay $0x7  }
0xb4: {  	v5 =	vld.idx.msk [tilespmem:v6+s13+$0x0], $0xffff  }
0xb5: {  	v4 =	vld.idx.msk [tilespmem:v6+s14+$0x0], $0xffff  }
0xb6: {  	v7 =	vld.idx.msk [tilespmem:v6+s12+$0x0], $0xffff  }
0xb7: {  	v8 =	vor.u32 s18, v2;
	s18 =	sadd.s32 $0x1, s18;
	v6 =	vld.idx.msk [tilespmem:v6+s2+$0x0], $0xffff  }
0xb8: {  	p0 =	sne.s32 s18, $0x80  }
.Ltmp3:
0xb9: {  	_ = 	snop;
	(pc) =	sbr.rel @p0 .LBB2_5-.Ltmp3, $4  }
0xba: {  	v63 =	vsel vm0, v4, v5  }
0xbb: {  	v9 =	vsel vm1, v63, v7  }
0xbc: {  	v9 =	vsel vm2, v6, v9  }
0xbd: {  	[tilespmem:v8+s16+$0x0] =	vst.idx.msk $0xf, v9  }
0xbe: {  	s17 =	sadd.s32 $0x1, s17  }
0xbf: {  	p0 =	sne.s32 s17, s8  }
.Ltmp4:
0xc0: {  	_ = 	snop;
	(pc) =	sbr.rel @p0 .LBB2_2-.Ltmp4, $4  }
0xc1: {  	[hbm4b:s6+s9] =	stream.strided.scatter [tilespmem:s16], [sflag:$0x1], $0x200, s10, s9, $0x38;
	[tilespmem:$0xA280] =	vst v63  }
0xc2: {  	_ =	swait.ge [sflag:s11], $0x200  }
0xc3: {  	[sflag:s11] =	ssyncset.done $0x0  }
0xc4: {  	[sflag:s11] =	ssyncadd.s32 $0xFFFFFE00  }
.LBB2_9:
0xc5: {  	_ =	sfence.sel $0x180000  }
0xc6: {  	[bflag:$0x0] =	sbarrier.arrive $0xFFFF  }
0xc7: {  	_ =	strace $0x90000047  }
0xc8: {  	s0 =	stileid.u32;
	[bflag:$0x2] =	sbarrier.arrive $0xFFFF  }
0xc9: {  	p0 =	sne.s32 s0, $0x0;
	s0 =	rddreg [dreg:$0x3]  }
0xca: {  	s0 =	sadd.s32 @!p0 $0x100000, s0  }
0xcb: {  	[sflag:s0] =	ssyncadd.tile.s32 @!p0 $0x1;
	_ =	shalt  }
.Lfunc_end2:
_tile_overlayer_lowered:
.L_overlay_start_2:
0xcc: {  	(tag) =	ssettag $0x2  }
0xcd: {  	s0 =	rddreg [dreg:$0x0];
	s2 =	stileid.u32  }
0xce: {  	s1 =	rddreg [dreg:$0x1];
	p0 =	sne.s32 s2, $0x0  }
0xcf: {  	s3 =	rddreg [dreg:$0x2];
	[bflag:$0x3] =	sbarrier.arrive $0xFFFF;
	s2 =	simm.s32 @!p0 $0x1C01  }
0xd0: {  	[timem:s3], [sflag:s2] =	dma.local @!p0 [hbm:s0], s1  }
0xd1: {  	s0 =	simm.s32 @!p0 $0x1  }
0xd2: {  	_ =	swait.ge @!p0 [sflag:s0], s1  }
0xd3: {  	s1 =	ssub.s32 @!p0 $0x0, s1;
	[sflag:s0] =	ssyncset.done @!p0 $0x0  }
0xd4: {  	[sflag:s0] =	ssyncadd.s32 @!p0 s1  }
0xd5: {  	[bflag:$0x3] =	sbarrier.arrive $0xFFFF  }
0xd6: {  	_ =	shalt  }

</sc_bundles>
